<compile_context>
chip_gen: v7x
topology: tpu7x:2x2x1
jax: 0.10.2.dev20260603
libtpu: 0.0.44.dev20260713+nightly
codegen_flags: <defaults>
</compile_context>

<pallas_src>
import functools

import jax
import jax.numpy as jnp
from jax import lax
from jax.experimental import pallas as pl
from jax.experimental.pallas import tpu as pltpu
from jax.experimental.pallas import tpu_sc as plsc

N_NODES = 10000
N_EDGES = 320000
D = 128
D_EDGE = 16

NC = 2
NS = 16
NW = NC * NS
CH = 80
EDGES_PER_W = N_EDGES // NW
CHUNKS = EDGES_PER_W // CH
N_PAD = 10240
ROWS_PER_TEC = N_PAD // NS
FULL_FLUSHES = ROWS_PER_TEC // CH
IB = 25
NB = CHUNKS // IB

_GB = 2000
_EB = 12800
_FB = 2000


def _g_body(x_ref, wx_ref, bx_ref, wm1_ref, g_ref):
    h = jnp.dot(x_ref[...], wx_ref[...], preferred_element_type=jnp.float32)
    h = h + bx_ref[...]
    g_ref[...] = jnp.dot(h, wm1_ref[...], preferred_element_type=jnp.float32)


def _compute_g(x, Wx, bx2, Wm1):
    return pl.pallas_call(
        _g_body,
        grid=(N_NODES // _GB,),
        in_specs=[
            pl.BlockSpec((_GB, D), lambda i: (i, 0)),
            pl.BlockSpec((D, D), lambda i: (0, 0)),
            pl.BlockSpec((1, D), lambda i: (0, 0)),
            pl.BlockSpec((D, D), lambda i: (0, 0)),
        ],
        out_specs=pl.BlockSpec((_GB, D), lambda i: (i, 0)),
        out_shape=jax.ShapeDtypeStruct((N_NODES, D), jnp.float32),
    )(x, Wx, bx2, Wm1)


def _p_body(et_ref, we_ref, be_ref, wm2_ref, bm_ref, p_ref):
    w2 = jnp.dot(we_ref[...], wm2_ref[...], preferred_element_type=jnp.float32)
    c2 = jnp.dot(be_ref[...], wm2_ref[...], preferred_element_type=jnp.float32)
    c2 = c2 + bm_ref[...]
    p = lax.dot_general(et_ref[...], w2,
                        dimension_numbers=(((0,), (0,)), ((), ())),
                        preferred_element_type=jnp.float32)
    p_ref[...] = p + c2


def _compute_p(edge_attr_t, We, be2, Wm2, bm2):
    return pl.pallas_call(
        _p_body,
        grid=(N_EDGES // _EB,),
        in_specs=[
            pl.BlockSpec((D_EDGE, _EB), lambda i: (0, i)),
            pl.BlockSpec((D_EDGE, D), lambda i: (0, 0)),
            pl.BlockSpec((1, D), lambda i: (0, 0)),
            pl.BlockSpec((D, D), lambda i: (0, 0)),
            pl.BlockSpec((1, D), lambda i: (0, 0)),
        ],
        out_specs=pl.BlockSpec((_EB, D), lambda i: (i, 0)),
        out_shape=jax.ShapeDtypeStruct((N_EDGES, D), jnp.float32),
    )(edge_attr_t, We, be2, Wm2, bm2)


_MESH = plsc.VectorSubcoreMesh(
    core_axis_name="c", subcore_axis_name="s", num_cores=NC, num_subcores=NS
)


@functools.partial(
    pl.kernel,
    out_type=jax.ShapeDtypeStruct((NC * N_PAD, D), jnp.float32),
    mesh=_MESH,
    scratch_types=[
        pltpu.VMEM((IB, CH), jnp.int32),
        pltpu.VMEM((IB, CH), jnp.int32),
        pltpu.VMEM((CH, D), jnp.float32),
        pltpu.VMEM((CH, D), jnp.float32),
        pltpu.VMEM((CH, D), jnp.float32),
        pltpu.VMEM((CH, D), jnp.float32),
        pltpu.VMEM_SHARED((N_PAD, D), jnp.float32),
        pltpu.SemaphoreType.DMA,
        pltpu.SemaphoreType.DMA,
    ],
)
def _sc_aggregate(g_hbm, p_hbm, eidx_hbm, out_hbm,
                  sidx, didx, gbuf0, gbuf1, pbuf0, pbuf1, acc, sem0, sem1):
    cid = lax.axis_index("c")
    sid = lax.axis_index("s")
    wid = sid * NC + cid
    base = sid * ROWS_PER_TEC

    zero = jnp.zeros((16,), jnp.float32)

    def _zrow(r, carry):
        for c in range(D // 16):
            gbuf0[r, pl.ds(c * 16, 16)] = zero
        return carry

    lax.fori_loop(0, CH, _zrow, 0)

    def _zcopy(i, carry):
        pltpu.sync_copy(gbuf0, acc.at[pl.ds(base + i * CH, CH)])
        return carry

    lax.fori_loop(0, FULL_FLUSHES, _zcopy, 0)
    plsc.subcore_barrier()

    def _issue(ebase_blk, j, gbuf, pbuf, sem):
        pltpu.async_copy(g_hbm.at[sidx.at[j]], gbuf, sem)
        pltpu.async_copy(p_hbm.at[pl.ds(ebase_blk + j * CH, CH)], pbuf, sem)

    def _drain(gbuf, pbuf, sem):
        pltpu.make_async_copy(p_hbm.at[pl.ds(0, CH)], gbuf, sem).wait()
        pltpu.make_async_copy(p_hbm.at[pl.ds(0, CH)], pbuf, sem).wait()

    def _compute_scatter(j, gbuf, pbuf):
        @plsc.parallel_loop(0, CH, step=1, unroll=1)
        def _row(r):
            for c in range(D // 16):
                sl = pl.ds(c * 16, 16)
                m = gbuf[r, sl] + pbuf[r, sl]
                pbuf[r, sl] = jnp.maximum(m, m * jnp.float32(0.01))

        pltpu.sync_copy(pbuf, acc.at[didx.at[j]], add=True)

    def _block(b, carry):
        pltpu.sync_copy(eidx_hbm.at[wid * NB + b], sidx)
        pltpu.sync_copy(eidx_hbm.at[NW * NB + wid * NB + b], didx)
        ebase_blk = wid * EDGES_PER_W + b * IB * CH
        _issue(ebase_blk, 0, gbuf0, pbuf0, sem0)

        def _pair(i, c2):
            j0 = 2 * i
            _issue(ebase_blk, j0 + 1, gbuf1, pbuf1, sem1)
            _drain(gbuf0, pbuf0, sem0)
            _compute_scatter(j0, gbuf0, pbuf0)
            _issue(ebase_blk, j0 + 2, gbuf0, pbuf0, sem0)
            _drain(gbuf1, pbuf1, sem1)
            _compute_scatter(j0 + 1, gbuf1, pbuf1)
            return c2

        lax.fori_loop(0, (IB - 1) // 2, _pair, 0)
        _drain(gbuf0, pbuf0, sem0)
        _compute_scatter(IB - 1, gbuf0, pbuf0)
        return carry

    lax.fori_loop(0, NB, _block, 0)
    plsc.subcore_barrier()

    obase = cid * N_PAD + base

    def _flush(i, carry):
        pltpu.sync_copy(acc.at[pl.ds(base + i * CH, CH)], gbuf0)
        pltpu.sync_copy(gbuf0, out_hbm.at[pl.ds(obase + i * CH, CH)])
        return carry

    lax.fori_loop(0, FULL_FLUSHES, _flush, 0)


def _f_body(p_ref, beta_ref, o_ref):
    s = p_ref[0] + p_ref[1]
    b = jnp.maximum(beta_ref[0, 0], jnp.float32(0.0))
    o_ref[...] = jax.nn.sigmoid(s) * b


def _finalize(parts, beta2):
    return pl.pallas_call(
        _f_body,
        grid=(N_NODES // _FB,),
        in_specs=[
            pl.BlockSpec((NC, _FB, D), lambda i: (0, i, 0)),
            pl.BlockSpec(memory_space=pltpu.SMEM),
        ],
        out_specs=pl.BlockSpec((_FB, D), lambda i: (i, 0)),
        out_shape=jax.ShapeDtypeStruct((N_NODES, D), jnp.float32),
    )(parts, beta2)


def kernel(x, edge_index, edge_attr, Wx, bx, We, be, Wm, bm, beta):
    Wm1 = Wm[:D]
    Wm2 = Wm[D:]
    eidx = edge_index.reshape(2 * NW * NB, IB, CH)
    g = _compute_g(x, Wx, bx.reshape(1, D), Wm1)
    p = _compute_p(edge_attr.T, We, be.reshape(1, D), Wm2, bm.reshape(1, D))
    parts = _sc_aggregate(g, p, eidx)
    parts = parts.reshape(NC, N_PAD, D)
    return _finalize(parts, beta.reshape(1, 1))

# --- scband reference (transcript-rebuilt; emitter-appended) ---
"""Pipeline reference for scband-uni-bip-33517924778601 (READ-ONLY COPY).

The authoritative reference and input builder live on the scoring server;
editing this copy changes nothing except your own understanding.
"""

import jax, jax.numpy as jnp
import numpy as np

N = 10000
E = 320000
D_FEAT = 128
D_EDGE = 16
OUT = 128

def setup_inputs(seed: int = 0) -> dict:
    key = jax.random.key(seed)
    ks = jax.random.split(key, 10)
    x = jax.random.normal(ks[0], (N, D_FEAT), dtype=jnp.float32)
    edge_index = jax.random.randint(ks[1], (2, E), 0, N, dtype=jnp.int32)
    edge_attr = jax.random.normal(ks[2], (E, D_EDGE), dtype=jnp.float32)
    # learned params (lazy Linear layers materialized)
    Wx = jax.random.normal(ks[3], (D_FEAT, OUT), dtype=jnp.float32) * (1.0 / np.sqrt(D_FEAT))
    bx = jnp.zeros((OUT,), dtype=jnp.float32)
    We = jax.random.normal(ks[4], (D_EDGE, OUT), dtype=jnp.float32) * (1.0 / np.sqrt(D_EDGE))
    be = jnp.zeros((OUT,), dtype=jnp.float32)
    Wm = jax.random.normal(ks[5], (2 * OUT, OUT), dtype=jnp.float32) * (1.0 / np.sqrt(2 * OUT))
    bm = jnp.zeros((OUT,), dtype=jnp.float32)
    beta = jnp.asarray(0.1, dtype=jnp.float32)
    return {"x": x, "edge_index": edge_index, "edge_attr": edge_attr,
            "Wx": Wx, "bx": bx, "We": We, "be": be, "Wm": Wm, "bm": bm, "beta": beta}

def reference(x, edge_index, edge_attr, Wx, bx, We, be, Wm, bm, beta):
    # x_proj
    h = x @ Wx + bx
    # edge_proj
    ef = edge_attr @ We + be
    src = edge_index[0]
    dst = edge_index[1]
    # gather source node features
    src_feat = jnp.take(h, src, axis=0)
    msg = jnp.concatenate([src_feat, ef], axis=1)
    msg = msg @ Wm + bm
    msg = jax.nn.leaky_relu(msg, negative_slope=0.01)
    # scatter-add aggregation by destination node
    agg = jax.ops.segment_sum(msg, dst, num_segments=N)
    return jax.nn.sigmoid(agg) * jax.nn.relu(beta)

if __name__ == "__main__":
    import jax
    _d = setup_inputs()
    print(jax.jit(kernel)(*tuple(_d.values())))

</pallas_src>

<mosaic_0001>
#map = affine_map<(d0, d1) -> (0, 0)>
#map1 = affine_map<(d0, d1) -> (0, 0, 0)>
module attributes {stable_mosaic.version = 14 : i64} {
  func.func @_sc_aggregate(%arg0: i32, %arg1: i32, %arg2: memref<10000x128xf32, #tpu.memory_space<hbm>>, %arg3: memref<320000x128xf32, #tpu.memory_space<hbm>>, %arg4: memref<320x25x80xi32, #tpu.memory_space<hbm>>, %arg5: memref<20480x128xf32, #tpu.memory_space<hbm>>, %arg6: memref<25x80xi32, #tpu.memory_space<vmem>>, %arg7: memref<25x80xi32, #tpu.memory_space<vmem>>, %arg8: memref<80x128xf32, #tpu.memory_space<vmem>>, %arg9: memref<80x128xf32, #tpu.memory_space<vmem>>, %arg10: memref<80x128xf32, #tpu.memory_space<vmem>>, %arg11: memref<80x128xf32, #tpu.memory_space<vmem>>, %arg12: memref<10240x128xf32, #tpu.memory_space<vmem_shared>>, %arg13: memref<!tpu.dma_semaphore, #tpu.memory_space<semaphore_mem>>, %arg14: memref<!tpu.dma_semaphore, #tpu.memory_space<semaphore_mem>>) attributes {dimension_semantics = [#tpu.dimension_semantics<core_parallel>, #tpu.dimension_semantics<subcore_parallel>], iteration_bounds = array<i64: 2, 16>, scalar_prefetch = 0 : i64, scratch_operands = 9 : i64, tpu.core_type = #tpu.core_type<sc_vector_subcore>, window_params = [{transform_indices = #map}, {transform_indices = #map}, {transform_indices = #map1}, {transform_indices = #map}]} {
    %mul3A = arith.constant 2 : i32
    %mul3A_0 = arith.muli %arg1, %mul3A : i32
    %add3A = arith.addi %mul3A_0, %arg0 : i32
    %mul3A_1 = arith.constant 640 : i32
    %mul3A_2 = arith.muli %arg1, %mul3A_1 : i32
    %broadcast_in_dim3A = arith.constant 0.000000e+00 : f32
    %broadcast_in_dim3A_3 = vector.broadcast %broadcast_in_dim3A : f32 to vector<16xf32>
    %scan3A = arith.constant 0 : i32
    %scan3A_4 = arith.constant 0 : i32
    %scan3A_5 = arith.constant 80 : i32
    %scan3A_6 = arith.addi %scan3A_4, %scan3A_5 : i32
    %scan3A_7 = arith.constant 1 : i32
    scf.for %scan3A_31 = %scan3A_4 to %scan3A_6 step %scan3A_7  : i32 {
      %swap3A = arith.index_cast %scan3A_31 : i32 to index
      %swap3A_32 = arith.constant 0 : index
      %swap3A_33 = tpu.vector_load %arg8[%swap3A, %swap3A_32] {strides = array<i32>} : memref<80x128xf32, #tpu.memory_space<vmem>>, vector<1x16xf32>,
      %swap3A_34 = vector.shape_cast %swap3A_33 : vector<1x16xf32> to vector<16xf32>
      %swap3A_35 = vector.shape_cast %broadcast_in_dim3A_3 : vector<16xf32> to vector<1x16xf32>
      tpu.vector_store %arg8[%swap3A, %swap3A_32], %swap3A_35 {strides = array<i32>} : memref<80x128xf32, #tpu.memory_space<vmem>>, vector<1x16xf32>,
      %swap3A_36 = arith.index_cast %scan3A_31 : i32 to index
      %swap3A_37 = arith.constant 16 : index
      %swap3A_38 = tpu.vector_load %arg8[%swap3A_36, %swap3A_37] {strides = array<i32>} : memref<80x128xf32, #tpu.memory_space<vmem>>, vector<1x16xf32>,
      %swap3A_39 = vector.shape_cast %swap3A_38 : vector<1x16xf32> to vector<16xf32>
      %swap3A_40 = vector.shape_cast %broadcast_in_dim3A_3 : vector<16xf32> to vector<1x16xf32>
      tpu.vector_store %arg8[%swap3A_36, %swap3A_37], %swap3A_40 {strides = array<i32>} : memref<80x128xf32, #tpu.memory_space<vmem>>, vector<1x16xf32>,
      %swap3A_41 = arith.index_cast %scan3A_31 : i32 to index
      %swap3A_42 = arith.constant 32 : index
      %swap3A_43 = tpu.vector_load %arg8[%swap3A_41, %swap3A_42] {strides = array<i32>} : memref<80x128xf32, #tpu.memory_space<vmem>>, vector<1x16xf32>,
      %swap3A_44 = vector.shape_cast %swap3A_43 : vector<1x16xf32> to vector<16xf32>
      %swap3A_45 = vector.shape_cast %broadcast_in_dim3A_3 : vector<16xf32> to vector<1x16xf32>
      tpu.vector_store %arg8[%swap3A_41, %swap3A_42], %swap3A_45 {strides = array<i32>} : memref<80x128xf32, #tpu.memory_space<vmem>>, vector<1x16xf32>,
      %swap3A_46 = arith.index_cast %scan3A_31 : i32 to index
      %swap3A_47 = arith.constant 48 : index
      %swap3A_48 = tpu.vector_load %arg8[%swap3A_46, %swap3A_47] {strides = array<i32>} : memref<80x128xf32, #tpu.memory_space<vmem>>, vector<1x16xf32>,
      %swap3A_49 = vector.shape_cast %swap3A_48 : vector<1x16xf32> to vector<16xf32>
      %swap3A_50 = vector.shape_cast %broadcast_in_dim3A_3 : vector<16xf32> to vector<1x16xf32>
      tpu.vector_store %arg8[%swap3A_46, %swap3A_47], %swap3A_50 {strides = array<i32>} : memref<80x128xf32, #tpu.memory_space<vmem>>, vector<1x16xf32>,
      %swap3A_51 = arith.index_cast %scan3A_31 : i32 to index
      %swap3A_52 = arith.constant 64 : index
      %swap3A_53 = tpu.vector_load %arg8[%swap3A_51, %swap3A_52] {strides = array<i32>} : memref<80x128xf32, #tpu.memory_space<vmem>>, vector<1x16xf32>,
      %swap3A_54 = vector.shape_cast %swap3A_53 : vector<1x16xf32> to vector<16xf32>
      %swap3A_55 = vector.shape_cast %broadcast_in_dim3A_3 : vector<16xf32> to vector<1x16xf32>
      tpu.vector_store %arg8[%swap3A_51, %swap3A_52], %swap3A_55 {strides = array<i32>} : memref<80x128xf32, #tpu.memory_space<vmem>>, vector<1x16xf32>,
      %swap3A_56 = arith.index_cast %scan3A_31 : i32 to index
      %swap3A_57 = arith.constant 80 : index
      %swap3A_58 = tpu.vector_load %arg8[%swap3A_56, %swap3A_57] {strides = array<i32>} : memref<80x128xf32, #tpu.memory_space<vmem>>, vector<1x16xf32>,
      %swap3A_59 = vector.shape_cast %swap3A_58 : vector<1x16xf32> to vector<16xf32>
      %swap3A_60 = vector.shape_cast %broadcast_in_dim3A_3 : vector<16xf32> to vector<1x16xf32>
      tpu.vector_store %arg8[%swap3A_56, %swap3A_57], %swap3A_60 {strides = array<i32>} : memref<80x128xf32, #tpu.memory_space<vmem>>, vector<1x16xf32>,
      %swap3A_61 = arith.index_cast %scan3A_31 : i32 to index
      %swap3A_62 = arith.constant 96 : index
      %swap3A_63 = tpu.vector_load %arg8[%swap3A_61, %swap3A_62] {strides = array<i32>} : memref<80x128xf32, #tpu.memory_space<vmem>>, vector<1x16xf32>,
      %swap3A_64 = vector.shape_cast %swap3A_63 : vector<1x16xf32> to vector<16xf32>
      %swap3A_65 = vector.shape_cast %broadcast_in_dim3A_3 : vector<16xf32> to vector<1x16xf32>
      tpu.vector_store %arg8[%swap3A_61, %swap3A_62], %swap3A_65 {strides = array<i32>} : memref<80x128xf32, #tpu.memory_space<vmem>>, vector<1x16xf32>,
      %swap3A_66 = arith.index_cast %scan3A_31 : i32 to index
      %swap3A_67 = arith.constant 112 : index
      %swap3A_68 = tpu.vector_load %arg8[%swap3A_66, %swap3A_67] {strides = array<i32>} : memref<80x128xf32, #tpu.memory_space<vmem>>, vector<1x16xf32>,
      %swap3A_69 = vector.shape_cast %swap3A_68 : vector<1x16xf32> to vector<16xf32>
      %swap3A_70 = vector.shape_cast %broadcast_in_dim3A_3 : vector<16xf32> to vector<1x16xf32>
      tpu.vector_store %arg8[%swap3A_66, %swap3A_67], %swap3A_70 {strides = array<i32>} : memref<80x128xf32, #tpu.memory_space<vmem>>, vector<1x16xf32>,
    }
    %scan3A_8 = arith.constant 80 : i32
    %scan3A_9 = arith.constant 0 : i32
    %scan3A_10 = arith.constant 0 : i32
    %scan3A_11 = arith.constant 8 : i32
    %scan3A_12 = arith.addi %scan3A_10, %scan3A_11 : i32
    %scan3A_13 = arith.constant 1 : i32
    scf.for %scan3A_31 = %scan3A_10 to %scan3A_12 step %scan3A_13  : i32 {
      %mul3A_32 = arith.constant 80 : i32
      %mul3A_33 = arith.muli %scan3A_31, %mul3A_32 : i32
      %add3A_34 = arith.addi %mul3A_2, %mul3A_33 : i32
      "tpu.region"() ({
        %run_scoped3A = tpu.sem_alloc : memref<!tpu.dma_semaphore, #tpu.memory_space<semaphore_mem>>
        %dma_start3A = arith.constant 0 : i32
        %dma_start3A_35 = tpu.memref_slice %arg12[%add3A_34, %dma_start3A] : memref<10240x128xf32, #tpu.memory_space<vmem_shared>> -> memref<80x128xf32, #tpu.memory_space<vmem_shared>>
        %dma_start3A_36 = arith.constant 0 : i32
        %dma_start3A_37 = tpu.memref_slice %arg12[%add3A_34, %dma_start3A_36] : memref<10240x128xf32, #tpu.memory_space<vmem_shared>> -> memref<80x128xf32, #tpu.memory_space<vmem_shared>>
        tpu.enqueue_dma source(%arg8 : memref<80x128xf32, #tpu.memory_space<vmem>>) target(%dma_start3A_37 : memref<80x128xf32, #tpu.memory_space<vmem_shared>>) target_semaphore(%run_scoped3A : memref<!tpu.dma_semaphore, #tpu.memory_space<semaphore_mem>>)
        %dma_wait3A = arith.constant 0 : i32
        %dma_wait3A_38 = tpu.memref_slice %arg12[%add3A_34, %dma_wait3A] : memref<10240x128xf32, #tpu.memory_space<vmem_shared>> -> memref<80x128xf32, #tpu.memory_space<vmem_shared>>
        %dma_wait3A_39 = arith.constant 0 : i32
        %dma_wait3A_40 = tpu.memref_slice %arg12[%add3A_34, %dma_wait3A_39] : memref<10240x128xf32, #tpu.memory_space<vmem_shared>> -> memref<80x128xf32, #tpu.memory_space<vmem_shared>>
        tpu.wait_dma2 semaphore(%run_scoped3A : memref<!tpu.dma_semaphore, #tpu.memory_space<semaphore_mem>>) src(%arg8 : memref<80x128xf32, #tpu.memory_space<vmem>>) dst(%dma_wait3A_40 : memref<80x128xf32, #tpu.memory_space<vmem_shared>>)
        tpu.yield
      }) : () -> ()
    }
    %scan3A_14 = arith.constant 8 : i32
    %barrier3A = arith.constant 0 : index
    tpu.barrier barrier_id(%barrier3A)
    %scan3A_15 = arith.constant 0 : i32
    %scan3A_16 = arith.constant 0 : i32
    %scan3A_17 = arith.constant 5 : i32
    %scan3A_18 = arith.addi %scan3A_16, %scan3A_17 : i32
    %scan3A_19 = arith.constant 1 : i32
    scf.for %scan3A_31 = %scan3A_16 to %scan3A_18 step %scan3A_19  : i32 {
      %mul3A_32 = arith.constant 5 : i32
      %mul3A_33 = arith.muli %add3A, %mul3A_32 : i32
      %add3A_34 = arith.addi %mul3A_33, %scan3A_31 : i32
      "tpu.region"() ({
        %run_scoped3A_78 = tpu.sem_alloc : memref<!tpu.dma_semaphore, #tpu.memory_space<semaphore_mem>>
        %dma_start3A_79 = arith.constant 0 : i32
        %dma_start3A_80 = arith.constant 0 : i32
        %dma_start3A_81 = tpu.memref_slice %arg4[%add3A_34, %dma_start3A_79, %dma_start3A_80] : memref<320x25x80xi32, #tpu.memory_space<hbm>> -> memref<1x25x80xi32, #tpu.memory_space<hbm>>
        %dma_start3A_82 = tpu.memref_squeeze %dma_start3A_81 : memref<1x25x80xi32, #tpu.memory_space<hbm>> -> memref<25x80xi32, #tpu.memory_space<hbm>>
        %dma_start3A_83 = arith.constant 0 : i32
        %dma_start3A_84 = arith.constant 0 : i32
        %dma_start3A_85 = tpu.memref_slice %arg4[%add3A_34, %dma_start3A_83, %dma_start3A_84] : memref<320x25x80xi32, #tpu.memory_space<hbm>> -> memref<1x25x80xi32, #tpu.memory_space<hbm>>
        %dma_start3A_86 = tpu.memref_squeeze %dma_start3A_85 : memref<1x25x80xi32, #tpu.memory_space<hbm>> -> memref<25x80xi32, #tpu.memory_space<hbm>>
        tpu.enqueue_dma source(%dma_start3A_86 : memref<25x80xi32, #tpu.memory_space<hbm>>) target(%arg6 : memref<25x80xi32, #tpu.memory_space<vmem>>) target_semaphore(%run_scoped3A_78 : memref<!tpu.dma_semaphore, #tpu.memory_space<semaphore_mem>>)
        %dma_wait3A_87 = arith.constant 0 : i32
        %dma_wait3A_88 = arith.constant 0 : i32
        %dma_wait3A_89 = tpu.memref_slice %arg4[%add3A_34, %dma_wait3A_87, %dma_wait3A_88] : memref<320x25x80xi32, #tpu.memory_space<hbm>> -> memref<1x25x80xi32, #tpu.memory_space<hbm>>
        %dma_wait3A_90 = tpu.memref_squeeze %dma_wait3A_89 : memref<1x25x80xi32, #tpu.memory_space<hbm>> -> memref<25x80xi32, #tpu.memory_space<hbm>>
        %dma_wait3A_91 = arith.constant 0 : i32
        %dma_wait3A_92 = arith.constant 0 : i32
        %dma_wait3A_93 = tpu.memref_slice %arg4[%add3A_34, %dma_wait3A_91, %dma_wait3A_92] : memref<320x25x80xi32, #tpu.memory_space<hbm>> -> memref<1x25x80xi32, #tpu.memory_space<hbm>>
        %dma_wait3A_94 = tpu.memref_squeeze %dma_wait3A_93 : memref<1x25x80xi32, #tpu.memory_space<hbm>> -> memref<25x80xi32, #tpu.memory_space<hbm>>
        tpu.wait_dma2 semaphore(%run_scoped3A_78 : memref<!tpu.dma_semaphore, #tpu.memory_space<semaphore_mem>>) src(%dma_wait3A_94 : memref<25x80xi32, #tpu.memory_space<hbm>>) dst(%arg6 : memref<25x80xi32, #tpu.memory_space<vmem>>)
        tpu.yield
      }) : () -> ()
      %mul3A_35 = arith.constant 5 : i32
      %mul3A_36 = arith.muli %add3A, %mul3A_35 : i32
      %add3A_37 = arith.constant 160 : i32
      %add3A_38 = arith.addi %add3A_37, %mul3A_36 : i32
      %add3A_39 = arith.addi %add3A_38, %scan3A_31 : i32
      "tpu.region"() ({
        %run_scoped3A_78 = tpu.sem_alloc : memref<!tpu.dma_semaphore, #tpu.memory_space<semaphore_mem>>
        %dma_start3A_79 = arith.constant 0 : i32
        %dma_start3A_80 = arith.constant 0 : i32
        %dma_start3A_81 = tpu.memref_slice %arg4[%add3A_39, %dma_start3A_79, %dma_start3A_80] : memref<320x25x80xi32, #tpu.memory_space<hbm>> -> memref<1x25x80xi32, #tpu.memory_space<hbm>>
        %dma_start3A_82 = tpu.memref_squeeze %dma_start3A_81 : memref<1x25x80xi32, #tpu.memory_space<hbm>> -> memref<25x80xi32, #tpu.memory_space<hbm>>
        %dma_start3A_83 = arith.constant 0 : i32
        %dma_start3A_84 = arith.constant 0 : i32
        %dma_start3A_85 = tpu.memref_slice %arg4[%add3A_39, %dma_start3A_83, %dma_start3A_84] : memref<320x25x80xi32, #tpu.memory_space<hbm>> -> memref<1x25x80xi32, #tpu.memory_space<hbm>>
        %dma_start3A_86 = tpu.memref_squeeze %dma_start3A_85 : memref<1x25x80xi32, #tpu.memory_space<hbm>> -> memref<25x80xi32, #tpu.memory_space<hbm>>
        tpu.enqueue_dma source(%dma_start3A_86 : memref<25x80xi32, #tpu.memory_space<hbm>>) target(%arg7 : memref<25x80xi32, #tpu.memory_space<vmem>>) target_semaphore(%run_scoped3A_78 : memref<!tpu.dma_semaphore, #tpu.memory_space<semaphore_mem>>)
        %dma_wait3A_87 = arith.constant 0 : i32
        %dma_wait3A_88 = arith.constant 0 : i32
        %dma_wait3A_89 = tpu.memref_slice %arg4[%add3A_39, %dma_wait3A_87, %dma_wait3A_88] : memref<320x25x80xi32, #tpu.memory_space<hbm>> -> memref<1x25x80xi32, #tpu.memory_space<hbm>>
        %dma_wait3A_90 = tpu.memref_squeeze %dma_wait3A_89 : memref<1x25x80xi32, #tpu.memory_space<hbm>> -> memref<25x80xi32, #tpu.memory_space<hbm>>
        %dma_wait3A_91 = arith.constant 0 : i32
        %dma_wait3A_92 = arith.constant 0 : i32
        %dma_wait3A_93 = tpu.memref_slice %arg4[%add3A_39, %dma_wait3A_91, %dma_wait3A_92] : memref<320x25x80xi32, #tpu.memory_space<hbm>> -> memref<1x25x80xi32, #tpu.memory_space<hbm>>
        %dma_wait3A_94 = tpu.memref_squeeze %dma_wait3A_93 : memref<1x25x80xi32, #tpu.memory_space<hbm>> -> memref<25x80xi32, #tpu.memory_space<hbm>>
        tpu.wait_dma2 semaphore(%run_scoped3A_78 : memref<!tpu.dma_semaphore, #tpu.memory_space<semaphore_mem>>) src(%dma_wait3A_94 : memref<25x80xi32, #tpu.memory_space<hbm>>) dst(%arg7 : memref<25x80xi32, #tpu.memory_space<vmem>>)
        tpu.yield
      }) : () -> ()
      %mul3A_40 = arith.constant 10000 : i32
      %mul3A_41 = arith.muli %add3A, %mul3A_40 : i32
      %mul3A_42 = arith.constant 25 : i32
      %mul3A_43 = arith.muli %scan3A_31, %mul3A_42 : i32
      %mul3A_44 = arith.constant 80 : i32
      %mul3A_45 = arith.muli %mul3A_43, %mul3A_44 : i32
      %add3A_46 = arith.addi %mul3A_41, %mul3A_45 : i32
      %dma_start3A = arith.constant 0 : i32
      %dma_start3A_47 = arith.constant 0 : i32
      %dma_start3A_48 = tpu.memref_slice %arg6[%dma_start3A, %dma_start3A_47] : memref<25x80xi32, #tpu.memory_space<vmem>> -> memref<1x80xi32, #tpu.memory_space<vmem>>
      %dma_start3A_49 = tpu.memref_squeeze %dma_start3A_48 : memref<1x80xi32, #tpu.memory_space<vmem>> -> memref<80xi32, #tpu.memory_space<vmem>>
      %dma_start3A_50 = arith.constant 0 : i32
      %dma_start3A_51 = arith.constant 0 : i32
      %dma_start3A_52 = tpu.memref_slice %arg2[%dma_start3A_50, %dma_start3A_51] : memref<10000x128xf32, #tpu.memory_space<hbm>> -> memref<10000x128xf32, #tpu.memory_space<hbm>>
      tpu.enqueue_indirect_dma source(%dma_start3A_52 : memref<10000x128xf32, #tpu.memory_space<hbm>>) target(%arg8 : memref<80x128xf32, #tpu.memory_space<vmem>>) offsets(%dma_start3A_49 : memref<80xi32, #tpu.memory_space<vmem>>) semaphore(%arg13 : memref<!tpu.dma_semaphore, #tpu.memory_space<semaphore_mem>>)
      %add3A_53 = arith.constant 0 : i32
      %add3A_54 = arith.addi %add3A_46, %add3A_53 : i32
      %dma_start3A_55 = arith.constant 0 : i32
      %dma_start3A_56 = tpu.memref_slice %arg3[%add3A_54, %dma_start3A_55] : memref<320000x128xf32, #tpu.memory_space<hbm>> -> memref<80x128xf32, #tpu.memory_space<hbm>>
      %dma_start3A_57 = arith.constant 0 : i32
      %dma_start3A_58 = tpu.memref_slice %arg3[%add3A_54, %dma_start3A_57] : memref<320000x128xf32, #tpu.memory_space<hbm>> -> memref<80x128xf32, #tpu.memory_space<hbm>>
      tpu.enqueue_dma source(%dma_start3A_58 : memref<80x128xf32, #tpu.memory_space<hbm>>) target(%arg10 : memref<80x128xf32, #tpu.memory_space<vmem>>) target_semaphore(%arg13 : memref<!tpu.dma_semaphore, #tpu.memory_space<semaphore_mem>>)
      %scan3A_59 = arith.constant 0 : i32
      %scan3A_60 = arith.constant 0 : i32
      %scan3A_61 = arith.constant 12 : i32
      %scan3A_62 = arith.addi %scan3A_60, %scan3A_61 : i32
      %scan3A_63 = arith.constant 1 : i32
      scf.for %scan3A_78 = %scan3A_60 to %scan3A_62 step %scan3A_63  : i32 {
        %mul3A_79 = arith.constant 2 : i32
        %mul3A_80 = arith.muli %mul3A_79, %scan3A_78 : i32
        %add3A_81 = arith.constant 1 : i32
        %add3A_82 = arith.addi %mul3A_80, %add3A_81 : i32
        %dma_start3A_83 = arith.constant 0 : i32
        %dma_start3A_84 = tpu.memref_slice %arg6[%add3A_82, %dma_start3A_83] : memref<25x80xi32, #tpu.memory_space<vmem>> -> memref<1x80xi32, #tpu.memory_space<vmem>>
        %dma_start3A_85 = tpu.memref_squeeze %dma_start3A_84 : memref<1x80xi32, #tpu.memory_space<vmem>> -> memref<80xi32, #tpu.memory_space<vmem>>
        %dma_start3A_86 = arith.constant 0 : i32
        %dma_start3A_87 = arith.constant 0 : i32
        %dma_start3A_88 = tpu.memref_slice %arg2[%dma_start3A_86, %dma_start3A_87] : memref<10000x128xf32, #tpu.memory_space<hbm>> -> memref<10000x128xf32, #tpu.memory_space<hbm>>
        tpu.enqueue_indirect_dma source(%dma_start3A_88 : memref<10000x128xf32, #tpu.memory_space<hbm>>) target(%arg9 : memref<80x128xf32, #tpu.memory_space<vmem>>) offsets(%dma_start3A_85 : memref<80xi32, #tpu.memory_space<vmem>>) semaphore(%arg14 : memref<!tpu.dma_semaphore, #tpu.memory_space<semaphore_mem>>)
        %mul3A_89 = arith.constant 80 : i32
        %mul3A_90 = arith.muli %add3A_82, %mul3A_89 : i32
        %add3A_91 = arith.addi %add3A_46, %mul3A_90 : i32
        %dma_start3A_92 = arith.constant 0 : i32
        %dma_start3A_93 = tpu.memref_slice %arg3[%add3A_91, %dma_start3A_92] : memref<320000x128xf32, #tpu.memory_space<hbm>> -> memref<80x128xf32, #tpu.memory_space<hbm>>
        %dma_start3A_94 = arith.constant 0 : i32
        %dma_start3A_95 = tpu.memref_slice %arg3[%add3A_91, %dma_start3A_94] : memref<320000x128xf32, #tpu.memory_space<hbm>> -> memref<80x128xf32, #tpu.memory_space<hbm>>
        tpu.enqueue_dma source(%dma_start3A_95 : memref<80x128xf32, #tpu.memory_space<hbm>>) target(%arg11 : memref<80x128xf32, #tpu.memory_space<vmem>>) target_semaphore(%arg14 : memref<!tpu.dma_semaphore, #tpu.memory_space<semaphore_mem>>)
        %dma_wait3A_96 = arith.constant 0 : i32
        %dma_wait3A_97 = arith.constant 0 : i32
        %dma_wait3A_98 = tpu.memref_slice %arg3[%dma_wait3A_96, %dma_wait3A_97] : memref<320000x128xf32, #tpu.memory_space<hbm>> -> memref<80x128xf32, #tpu.memory_space<hbm>>
        %dma_wait3A_99 = arith.constant 0 : i32
        %dma_wait3A_100 = arith.constant 0 : i32
        %dma_wait3A_101 = tpu.memref_slice %arg3[%dma_wait3A_99, %dma_wait3A_100] : memref<320000x128xf32, #tpu.memory_space<hbm>> -> memref<80x128xf32, #tpu.memory_space<hbm>>
        tpu.wait_dma2 semaphore(%arg13 : memref<!tpu.dma_semaphore, #tpu.memory_space<semaphore_mem>>) src(%dma_wait3A_101 : memref<80x128xf32, #tpu.memory_space<hbm>>) dst(%arg8 : memref<80x128xf32, #tpu.memory_space<vmem>>)
        %dma_wait3A_102 = arith.constant 0 : i32
        %dma_wait3A_103 = arith.constant 0 : i32
        %dma_wait3A_104 = tpu.memref_slice %arg3[%dma_wait3A_102, %dma_wait3A_103] : memref<320000x128xf32, #tpu.memory_space<hbm>> -> memref<80x128xf32, #tpu.memory_space<hbm>>
        %dma_wait3A_105 = arith.constant 0 : i32
        %dma_wait3A_106 = arith.constant 0 : i32
        %dma_wait3A_107 = tpu.memref_slice %arg3[%dma_wait3A_105, %dma_wait3A_106] : memref<320000x128xf32, #tpu.memory_space<hbm>> -> memref<80x128xf32, #tpu.memory_space<hbm>>
        tpu.wait_dma2 semaphore(%arg13 : memref<!tpu.dma_semaphore, #tpu.memory_space<semaphore_mem>>) src(%dma_wait3A_107 : memref<80x128xf32, #tpu.memory_space<hbm>>) dst(%arg10 : memref<80x128xf32, #tpu.memory_space<vmem>>)
        %parallel_loop3A_108 = arith.constant 0 : i32
        %parallel_loop3A_109 = arith.constant 80 : i32
        %parallel_loop3A_110 = arith.constant 1 : i32
        scf.for %parallel_loop3A_143 = %parallel_loop3A_108 to %parallel_loop3A_109 step %parallel_loop3A_110  : i32 {
          %parallel_loop3A_144 = arith.index_cast %parallel_loop3A_143 : i32 to index
          %parallel_loop3A_145 = arith.constant 0 : index
          %parallel_loop3A_146 = tpu.vector_load %arg8[%parallel_loop3A_144, %parallel_loop3A_145] {strides = array<i32>} : memref<80x128xf32, #tpu.memory_space<vmem>>, vector<1x16xf32>,
          %parallel_loop3A_147 = vector.shape_cast %parallel_loop3A_146 : vector<1x16xf32> to vector<16xf32>
          %parallel_loop3A_148 = arith.index_cast %parallel_loop3A_143 : i32 to index
          %parallel_loop3A_149 = arith.constant 0 : index
          %parallel_loop3A_150 = tpu.vector_load %arg10[%parallel_loop3A_148, %parallel_loop3A_149] {strides = array<i32>} : memref<80x128xf32, #tpu.memory_space<vmem>>, vector<1x16xf32>,
          %parallel_loop3A_151 = vector.shape_cast %parallel_loop3A_150 : vector<1x16xf32> to vector<16xf32>
          %parallel_loop3A_152 = arith.addf %parallel_loop3A_147, %parallel_loop3A_151 : vector<16xf32>
          %parallel_loop3A_153 = arith.constant 0.00999999977 : f32
          %parallel_loop3A_154 = vector.broadcast %parallel_loop3A_153 : f32 to vector<16xf32>
          %parallel_loop3A_155 = arith.mulf %parallel_loop3A_152, %parallel_loop3A_154 : vector<16xf32>
          %parallel_loop3A_156 = arith.maximumf %parallel_loop3A_152, %parallel_loop3A_155 : vector<16xf32>
          %parallel_loop3A_157 = arith.index_cast %parallel_loop3A_143 : i32 to index
          %parallel_loop3A_158 = arith.constant 0 : index
          %parallel_loop3A_159 = tpu.vector_load %arg10[%parallel_loop3A_157, %parallel_loop3A_158] {strides = array<i32>} : memref<80x128xf32, #tpu.memory_space<vmem>>, vector<1x16xf32>,
          %parallel_loop3A_160 = vector.shape_cast %parallel_loop3A_159 : vector<1x16xf32> to vector<16xf32>
          %parallel_loop3A_161 = vector.shape_cast %parallel_loop3A_156 : vector<16xf32> to vector<1x16xf32>
          tpu.vector_store %arg10[%parallel_loop3A_157, %parallel_loop3A_158], %parallel_loop3A_161 {strides = array<i32>} : memref<80x128xf32, #tpu.memory_space<vmem>>, vector<1x16xf32>,
          %parallel_loop3A_162 = arith.index_cast %parallel_loop3A_143 : i32 to index
          %parallel_loop3A_163 = arith.constant 16 : index
          %parallel_loop3A_164 = tpu.vector_load %arg8[%parallel_loop3A_162, %parallel_loop3A_163] {strides = array<i32>} : memref<80x128xf32, #tpu.memory_space<vmem>>, vector<1x16xf32>,
          %parallel_loop3A_165 = vector.shape_cast %parallel_loop3A_164 : vector<1x16xf32> to vector<16xf32>
          %parallel_loop3A_166 = arith.index_cast %parallel_loop3A_143 : i32 to index
          %parallel_loop3A_167 = arith.constant 16 : index
          %parallel_loop3A_168 = tpu.vector_load %arg10[%parallel_loop3A_166, %parallel_loop3A_167] {strides = array<i32>} : memref<80x128xf32, #tpu.memory_space<vmem>>, vector<1x16xf32>,
          %parallel_loop3A_169 = vector.shape_cast %parallel_loop3A_168 : vector<1x16xf32> to vector<16xf32>
          %parallel_loop3A_170 = arith.addf %parallel_loop3A_165, %parallel_loop3A_169 : vector<16xf32>
          %parallel_loop3A_171 = arith.constant 0.00999999977 : f32
          %parallel_loop3A_172 = vector.broadcast %parallel_loop3A_171 : f32 to vector<16xf32>
          %parallel_loop3A_173 = arith.mulf %parallel_loop3A_170, %parallel_loop3A_172 : vector<16xf32>
          %parallel_loop3A_174 = arith.maximumf %parallel_loop3A_170, %parallel_loop3A_173 : vector<16xf32>
          %parallel_loop3A_175 = arith.index_cast %parallel_loop3A_143 : i32 to index
          %parallel_loop3A_176 = arith.constant 16 : index
          %parallel_loop3A_177 = tpu.vector_load %arg10[%parallel_loop3A_175, %parallel_loop3A_176] {strides = array<i32>} : memref<80x128xf32, #tpu.memory_space<vmem>>, vector<1x16xf32>,
          %parallel_loop3A_178 = vector.shape_cast %parallel_loop3A_177 : vector<1x16xf32> to vector<16xf32>
          %parallel_loop3A_179 = vector.shape_cast %parallel_loop3A_174 : vector<16xf32> to vector<1x16xf32>
          tpu.vector_store %arg10[%parallel_loop3A_175, %parallel_loop3A_176], %parallel_loop3A_179 {strides = array<i32>} : memref<80x128xf32, #tpu.memory_space<vmem>>, vector<1x16xf32>,
          %parallel_loop3A_180 = arith.index_cast %parallel_loop3A_143 : i32 to index
          %parallel_loop3A_181 = arith.constant 32 : index
          %parallel_loop3A_182 = tpu.vector_load %arg8[%parallel_loop3A_180, %parallel_loop3A_181] {strides = array<i32>} : memref<80x128xf32, #tpu.memory_space<vmem>>, vector<1x16xf32>,
          %parallel_loop3A_183 = vector.shape_cast %parallel_loop3A_182 : vector<1x16xf32> to vector<16xf32>
          %parallel_loop3A_184 = arith.index_cast %parallel_loop3A_143 : i32 to index
          %parallel_loop3A_185 = arith.constant 32 : index
          %parallel_loop3A_186 = tpu.vector_load %arg10[%parallel_loop3A_184, %parallel_loop3A_185] {strides = array<i32>} : memref<80x128xf32, #tpu.memory_space<vmem>>, vector<1x16xf32>,
          %parallel_loop3A_187 = vector.shape_cast %parallel_loop3A_186 : vector<1x16xf32> to vector<16xf32>
          %parallel_loop3A_188 = arith.addf %parallel_loop3A_183, %parallel_loop3A_187 : vector<16xf32>
          %parallel_loop3A_189 = arith.constant 0.00999999977 : f32
          %parallel_loop3A_190 = vector.broadcast %parallel_loop3A_189 : f32 to vector<16xf32>
          %parallel_loop3A_191 = arith.mulf %parallel_loop3A_188, %parallel_loop3A_190 : vector<16xf32>
          %parallel_loop3A_192 = arith.maximumf %parallel_loop3A_188, %parallel_loop3A_191 : vector<16xf32>
          %parallel_loop3A_193 = arith.index_cast %parallel_loop3A_143 : i32 to index
          %parallel_loop3A_194 = arith.constant 32 : index
          %parallel_loop3A_195 = tpu.vector_load %arg10[%parallel_loop3A_193, %parallel_loop3A_194] {strides = array<i32>} : memref<80x128xf32, #tpu.memory_space<vmem>>, vector<1x16xf32>,
          %parallel_loop3A_196 = vector.shape_cast %parallel_loop3A_195 : vector<1x16xf32> to vector<16xf32>
          %parallel_loop3A_197 = vector.shape_cast %parallel_loop3A_192 : vector<16xf32> to vector<1x16xf32>
          tpu.vector_store %arg10[%parallel_loop3A_193, %parallel_loop3A_194], %parallel_loop3A_197 {strides = array<i32>} : memref<80x128xf32, #tpu.memory_space<vmem>>, vector<1x16xf32>,
          %parallel_loop3A_198 = arith.index_cast %parallel_loop3A_143 : i32 to index
          %parallel_loop3A_199 = arith.constant 48 : index
          %parallel_loop3A_200 = tpu.vector_load %arg8[%parallel_loop3A_198, %parallel_loop3A_199] {strides = array<i32>} : memref<80x128xf32, #tpu.memory_space<vmem>>, vector<1x16xf32>,
          %parallel_loop3A_201 = vector.shape_cast %parallel_loop3A_200 : vector<1x16xf32> to vector<16xf32>
          %parallel_loop3A_202 = arith.index_cast %parallel_loop3A_143 : i32 to index
          %parallel_loop3A_203 = arith.constant 48 : index
          %parallel_loop3A_204 = tpu.vector_load %arg10[%parallel_loop3A_202, %parallel_loop3A_203] {strides = array<i32>} : memref<80x128xf32, #tpu.memory_space<vmem>>, vector<1x16xf32>,
          %parallel_loop3A_205 = vector.shape_cast %parallel_loop3A_204 : vector<1x16xf32> to vector<16xf32>
          %parallel_loop3A_206 = arith.addf %parallel_loop3A_201, %parallel_loop3A_205 : vector<16xf32>
          %parallel_loop3A_207 = arith.constant 0.00999999977 : f32
          %parallel_loop3A_208 = vector.broadcast %parallel_loop3A_207 : f32 to vector<16xf32>
          %parallel_loop3A_209 = arith.mulf %parallel_loop3A_206, %parallel_loop3A_208 : vector<16xf32>
          %parallel_loop3A_210 = arith.maximumf %parallel_loop3A_206, %parallel_loop3A_209 : vector<16xf32>
          %parallel_loop3A_211 = arith.index_cast %parallel_loop3A_143 : i32 to index
          %parallel_loop3A_212 = arith.constant 48 : index
          %parallel_loop3A_213 = tpu.vector_load %arg10[%parallel_loop3A_211, %parallel_loop3A_212] {strides = array<i32>} : memref<80x128xf32, #tpu.memory_space<vmem>>, vector<1x16xf32>,
          %parallel_loop3A_214 = vector.shape_cast %parallel_loop3A_213 : vector<1x16xf32> to vector<16xf32>
          %parallel_loop3A_215 = vector.shape_cast %parallel_loop3A_210 : vector<16xf32> to vector<1x16xf32>
          tpu.vector_store %arg10[%parallel_loop3A_211, %parallel_loop3A_212], %parallel_loop3A_215 {strides = array<i32>} : memref<80x128xf32, #tpu.memory_space<vmem>>, vector<1x16xf32>,
          %parallel_loop3A_216 = arith.index_cast %parallel_loop3A_143 : i32 to index
          %parallel_loop3A_217 = arith.constant 64 : index
          %parallel_loop3A_218 = tpu.vector_load %arg8[%parallel_loop3A_216, %parallel_loop3A_217] {strides = array<i32>} : memref<80x128xf32, #tpu.memory_space<vmem>>, vector<1x16xf32>,
          %parallel_loop3A_219 = vector.shape_cast %parallel_loop3A_218 : vector<1x16xf32> to vector<16xf32>
          %parallel_loop3A_220 = arith.index_cast %parallel_loop3A_143 : i32 to index
          %parallel_loop3A_221 = arith.constant 64 : index
          %parallel_loop3A_222 = tpu.vector_load %arg10[%parallel_loop3A_220, %parallel_loop3A_221] {strides = array<i32>} : memref<80x128xf32, #tpu.memory_space<vmem>>, vector<1x16xf32>,
          %parallel_loop3A_223 = vector.shape_cast %parallel_loop3A_222 : vector<1x16xf32> to vector<16xf32>
          %parallel_loop3A_224 = arith.addf %parallel_loop3A_219, %parallel_loop3A_223 : vector<16xf32>
          %parallel_loop3A_225 = arith.constant 0.00999999977 : f32
          %parallel_loop3A_226 = vector.broadcast %parallel_loop3A_225 : f32 to vector<16xf32>
          %parallel_loop3A_227 = arith.mulf %parallel_loop3A_224, %parallel_loop3A_226 : vector<16xf32>
          %parallel_loop3A_228 = arith.maximumf %parallel_loop3A_224, %parallel_loop3A_227 : vector<16xf32>
          %parallel_loop3A_229 = arith.index_cast %parallel_loop3A_143 : i32 to index
          %parallel_loop3A_230 = arith.constant 64 : index
          %parallel_loop3A_231 = tpu.vector_load %arg10[%parallel_loop3A_229, %parallel_loop3A_230] {strides = array<i32>} : memref<80x128xf32, #tpu.memory_space<vmem>>, vector<1x16xf32>,
          %parallel_loop3A_232 = vector.shape_cast %parallel_loop3A_231 : vector<1x16xf32> to vector<16xf32>
          %parallel_loop3A_233 = vector.shape_cast %parallel_loop3A_228 : vector<16xf32> to vector<1x16xf32>
          tpu.vector_store %arg10[%parallel_loop3A_229, %parallel_loop3A_230], %parallel_loop3A_233 {strides = array<i32>} : memref<80x128xf32, #tpu.memory_space<vmem>>, vector<1x16xf32>,
          %parallel_loop3A_234 = arith.index_cast %parallel_loop3A_143 : i32 to index
          %parallel_loop3A_235 = arith.constant 80 : index
          %parallel_loop3A_236 = tpu.vector_load %arg8[%parallel_loop3A_234, %parallel_loop3A_235] {strides = array<i32>} : memref<80x128xf32, #tpu.memory_space<vmem>>, vector<1x16xf32>,
          %parallel_loop3A_237 = vector.shape_cast %parallel_loop3A_236 : vector<1x16xf32> to vector<16xf32>
          %parallel_loop3A_238 = arith.index_cast %parallel_loop3A_143 : i32 to index
          %parallel_loop3A_239 = arith.constant 80 : index
          %parallel_loop3A_240 = tpu.vector_load %arg10[%parallel_loop3A_238, %parallel_loop3A_239] {strides = array<i32>} : memref<80x128xf32, #tpu.memory_space<vmem>>, vector<1x16xf32>,
          %parallel_loop3A_241 = vector.shape_cast %parallel_loop3A_240 : vector<1x16xf32> to vector<16xf32>
          %parallel_loop3A_242 = arith.addf %parallel_loop3A_237, %parallel_loop3A_241 : vector<16xf32>
          %parallel_loop3A_243 = arith.constant 0.00999999977 : f32
          %parallel_loop3A_244 = vector.broadcast %parallel_loop3A_243 : f32 to vector<16xf32>
          %parallel_loop3A_245 = arith.mulf %parallel_loop3A_242, %parallel_loop3A_244 : vector<16xf32>
          %parallel_loop3A_246 = arith.maximumf %parallel_loop3A_242, %parallel_loop3A_245 : vector<16xf32>
          %parallel_loop3A_247 = arith.index_cast %parallel_loop3A_143 : i32 to index
          %parallel_loop3A_248 = arith.constant 80 : index
          %parallel_loop3A_249 = tpu.vector_load %arg10[%parallel_loop3A_247, %parallel_loop3A_248] {strides = array<i32>} : memref<80x128xf32, #tpu.memory_space<vmem>>, vector<1x16xf32>,
          %parallel_loop3A_250 = vector.shape_cast %parallel_loop3A_249 : vector<1x16xf32> to vector<16xf32>
          %parallel_loop3A_251 = vector.shape_cast %parallel_loop3A_246 : vector<16xf32> to vector<1x16xf32>
          tpu.vector_store %arg10[%parallel_loop3A_247, %parallel_loop3A_248], %parallel_loop3A_251 {strides = array<i32>} : memref<80x128xf32, #tpu.memory_space<vmem>>, vector<1x16xf32>,
          %parallel_loop3A_252 = arith.index_cast %parallel_loop3A_143 : i32 to index
          %parallel_loop3A_253 = arith.constant 96 : index
          %parallel_loop3A_254 = tpu.vector_load %arg8[%parallel_loop3A_252, %parallel_loop3A_253] {strides = array<i32>} : memref<80x128xf32, #tpu.memory_space<vmem>>, vector<1x16xf32>,
          %parallel_loop3A_255 = vector.shape_cast %parallel_loop3A_254 : vector<1x16xf32> to vector<16xf32>
          %parallel_loop3A_256 = arith.index_cast %parallel_loop3A_143 : i32 to index
          %parallel_loop3A_257 = arith.constant 96 : index
          %parallel_loop3A_258 = tpu.vector_load %arg10[%parallel_loop3A_256, %parallel_loop3A_257] {strides = array<i32>} : memref<80x128xf32, #tpu.memory_space<vmem>>, vector<1x16xf32>,
          %parallel_loop3A_259 = vector.shape_cast %parallel_loop3A_258 : vector<1x16xf32> to vector<16xf32>
          %parallel_loop3A_260 = arith.addf %parallel_loop3A_255, %parallel_loop3A_259 : vector<16xf32>
          %parallel_loop3A_261 = arith.constant 0.00999999977 : f32
          %parallel_loop3A_262 = vector.broadcast %parallel_loop3A_261 : f32 to vector<16xf32>
          %parallel_loop3A_263 = arith.mulf %parallel_loop3A_260, %parallel_loop3A_262 : vector<16xf32>
          %parallel_loop3A_264 = arith.maximumf %parallel_loop3A_260, %parallel_loop3A_263 : vector<16xf32>
          %parallel_loop3A_265 = arith.index_cast %parallel_loop3A_143 : i32 to index
          %parallel_loop3A_266 = arith.constant 96 : index
          %parallel_loop3A_267 = tpu.vector_load %arg10[%parallel_loop3A_265, %parallel_loop3A_266] {strides = array<i32>} : memref<80x128xf32, #tpu.memory_space<vmem>>, vector<1x16xf32>,
          %parallel_loop3A_268 = vector.shape_cast %parallel_loop3A_267 : vector<1x16xf32> to vector<16xf32>
          %parallel_loop3A_269 = vector.shape_cast %parallel_loop3A_264 : vector<16xf32> to vector<1x16xf32>
          tpu.vector_store %arg10[%parallel_loop3A_265, %parallel_loop3A_266], %parallel_loop3A_269 {strides = array<i32>} : memref<80x128xf32, #tpu.memory_space<vmem>>, vector<1x16xf32>,
          %parallel_loop3A_270 = arith.index_cast %parallel_loop3A_143 : i32 to index
          %parallel_loop3A_271 = arith.constant 112 : index
          %parallel_loop3A_272 = tpu.vector_load %arg8[%parallel_loop3A_270, %parallel_loop3A_271] {strides = array<i32>} : memref<80x128xf32, #tpu.memory_space<vmem>>, vector<1x16xf32>,
          %parallel_loop3A_273 = vector.shape_cast %parallel_loop3A_272 : vector<1x16xf32> to vector<16xf32>
          %parallel_loop3A_274 = arith.index_cast %parallel_loop3A_143 : i32 to index
          %parallel_loop3A_275 = arith.constant 112 : index
          %parallel_loop3A_276 = tpu.vector_load %arg10[%parallel_loop3A_274, %parallel_loop3A_275] {strides = array<i32>} : memref<80x128xf32, #tpu.memory_space<vmem>>, vector<1x16xf32>,
          %parallel_loop3A_277 = vector.shape_cast %parallel_loop3A_276 : vector<1x16xf32> to vector<16xf32>
          %parallel_loop3A_278 = arith.addf %parallel_loop3A_273, %parallel_loop3A_277 : vector<16xf32>
          %parallel_loop3A_279 = arith.constant 0.00999999977 : f32
          %parallel_loop3A_280 = vector.broadcast %parallel_loop3A_279 : f32 to vector<16xf32>
          %parallel_loop3A_281 = arith.mulf %parallel_loop3A_278, %parallel_loop3A_280 : vector<16xf32>
          %parallel_loop3A_282 = arith.maximumf %parallel_loop3A_278, %parallel_loop3A_281 : vector<16xf32>
          %parallel_loop3A_283 = arith.index_cast %parallel_loop3A_143 : i32 to index
          %parallel_loop3A_284 = arith.constant 112 : index
          %parallel_loop3A_285 = tpu.vector_load %arg10[%parallel_loop3A_283, %parallel_loop3A_284] {strides = array<i32>} : memref<80x128xf32, #tpu.memory_space<vmem>>, vector<1x16xf32>,
          %parallel_loop3A_286 = vector.shape_cast %parallel_loop3A_285 : vector<1x16xf32> to vector<16xf32>
          %parallel_loop3A_287 = vector.shape_cast %parallel_loop3A_282 : vector<16xf32> to vector<1x16xf32>
          tpu.vector_store %arg10[%parallel_loop3A_283, %parallel_loop3A_284], %parallel_loop3A_287 {strides = array<i32>} : memref<80x128xf32, #tpu.memory_space<vmem>>, vector<1x16xf32>,
        } {sc.loop_unroll_factor = 1 : i64, sc.parallel_access}
        "tpu.region"() ({
          %run_scoped3A_143 = tpu.sem_alloc : memref<!tpu.dma_semaphore, #tpu.memory_space<semaphore_mem>>
          %dma_start3A_144 = arith.constant 0 : i32
          %dma_start3A_145 = tpu.memref_slice %arg7[%mul3A_80, %dma_start3A_144] : memref<25x80xi32, #tpu.memory_space<vmem>> -> memref<1x80xi32, #tpu.memory_space<vmem>>
          %dma_start3A_146 = tpu.memref_squeeze %dma_start3A_145 : memref<1x80xi32, #tpu.memory_space<vmem>> -> memref<80xi32, #tpu.memory_space<vmem>>
          %dma_start3A_147 = arith.constant 0 : i32
          %dma_start3A_148 = arith.constant 0 : i32
          %dma_start3A_149 = tpu.memref_slice %arg12[%dma_start3A_147, %dma_start3A_148] : memref<10240x128xf32, #tpu.memory_space<vmem_shared>> -> memref<10240x128xf32, #tpu.memory_space<vmem_shared>>
          tpu.enqueue_indirect_dma source(%arg10 : memref<80x128xf32, #tpu.memory_space<vmem>>) target(%dma_start3A_149 : memref<10240x128xf32, #tpu.memory_space<vmem_shared>>) offsets(%dma_start3A_146 : memref<80xi32, #tpu.memory_space<vmem>>) semaphore(%run_scoped3A_143 : memref<!tpu.dma_semaphore, #tpu.memory_space<semaphore_mem>>) {add = true}
          %dma_wait3A_150 = arith.constant 0 : i32
          %dma_wait3A_151 = tpu.memref_slice %arg7[%mul3A_80, %dma_wait3A_150] : memref<25x80xi32, #tpu.memory_space<vmem>> -> memref<1x80xi32, #tpu.memory_space<vmem>>
          %dma_wait3A_152 = tpu.memref_squeeze %dma_wait3A_151 : memref<1x80xi32, #tpu.memory_space<vmem>> -> memref<80xi32, #tpu.memory_space<vmem>>
          %dma_wait3A_153 = arith.constant 0 : i32
          %dma_wait3A_154 = arith.constant 0 : i32
          %dma_wait3A_155 = tpu.memref_slice %arg12[%dma_wait3A_153, %dma_wait3A_154] : memref<10240x128xf32, #tpu.memory_space<vmem_shared>> -> memref<10240x128xf32, #tpu.memory_space<vmem_shared>>
          tpu.wait_indirect_dma semaphore(%run_scoped3A_143 : memref<!tpu.dma_semaphore, #tpu.memory_space<semaphore_mem>>) src(%arg10 : memref<80x128xf32, #tpu.memory_space<vmem>>) dst(%dma_wait3A_155 : memref<10240x128xf32, #tpu.memory_space<vmem_shared>>)
          tpu.yield
        }) : () -> ()
        %add3A_111 = arith.constant 2 : i32
        %add3A_112 = arith.addi %mul3A_80, %add3A_111 : i32
        %dma_start3A_113 = arith.constant 0 : i32
        %dma_start3A_114 = tpu.memref_slice %arg6[%add3A_112, %dma_start3A_113] : memref<25x80xi32, #tpu.memory_space<vmem>> -> memref<1x80xi32, #tpu.memory_space<vmem>>
        %dma_start3A_115 = tpu.memref_squeeze %dma_start3A_114 : memref<1x80xi32, #tpu.memory_space<vmem>> -> memref<80xi32, #tpu.memory_space<vmem>>
        %dma_start3A_116 = arith.constant 0 : i32
        %dma_start3A_117 = arith.constant 0 : i32
        %dma_start3A_118 = tpu.memref_slice %arg2[%dma_start3A_116, %dma_start3A_117] : memref<10000x128xf32, #tpu.memory_space<hbm>> -> memref<10000x128xf32, #tpu.memory_space<hbm>>
        tpu.enqueue_indirect_dma source(%dma_start3A_118 : memref<10000x128xf32, #tpu.memory_space<hbm>>) target(%arg8 : memref<80x128xf32, #tpu.memory_space<vmem>>) offsets(%dma_start3A_115 : memref<80xi32, #tpu.memory_space<vmem>>) semaphore(%arg13 : memref<!tpu.dma_semaphore, #tpu.memory_space<semaphore_mem>>)
        %mul3A_119 = arith.constant 80 : i32
        %mul3A_120 = arith.muli %add3A_112, %mul3A_119 : i32
        %add3A_121 = arith.addi %add3A_46, %mul3A_120 : i32
        %dma_start3A_122 = arith.constant 0 : i32
        %dma_start3A_123 = tpu.memref_slice %arg3[%add3A_121, %dma_start3A_122] : memref<320000x128xf32, #tpu.memory_space<hbm>> -> memref<80x128xf32, #tpu.memory_space<hbm>>
        %dma_start3A_124 = arith.constant 0 : i32
        %dma_start3A_125 = tpu.memref_slice %arg3[%add3A_121, %dma_start3A_124] : memref<320000x128xf32, #tpu.memory_space<hbm>> -> memref<80x128xf32, #tpu.memory_space<hbm>>
        tpu.enqueue_dma source(%dma_start3A_125 : memref<80x128xf32, #tpu.memory_space<hbm>>) target(%arg10 : memref<80x128xf32, #tpu.memory_space<vmem>>) target_semaphore(%arg13 : memref<!tpu.dma_semaphore, #tpu.memory_space<semaphore_mem>>)
        %dma_wait3A_126 = arith.constant 0 : i32
        %dma_wait3A_127 = arith.constant 0 : i32
        %dma_wait3A_128 = tpu.memref_slice %arg3[%dma_wait3A_126, %dma_wait3A_127] : memref<320000x128xf32, #tpu.memory_space<hbm>> -> memref<80x128xf32, #tpu.memory_space<hbm>>
        %dma_wait3A_129 = arith.constant 0 : i32
        %dma_wait3A_130 = arith.constant 0 : i32
        %dma_wait3A_131 = tpu.memref_slice %arg3[%dma_wait3A_129, %dma_wait3A_130] : memref<320000x128xf32, #tpu.memory_space<hbm>> -> memref<80x128xf32, #tpu.memory_space<hbm>>
        tpu.wait_dma2 semaphore(%arg14 : memref<!tpu.dma_semaphore, #tpu.memory_space<semaphore_mem>>) src(%dma_wait3A_131 : memref<80x128xf32, #tpu.memory_space<hbm>>) dst(%arg9 : memref<80x128xf32, #tpu.memory_space<vmem>>)
        %dma_wait3A_132 = arith.constant 0 : i32
        %dma_wait3A_133 = arith.constant 0 : i32
        %dma_wait3A_134 = tpu.memref_slice %arg3[%dma_wait3A_132, %dma_wait3A_133] : memref<320000x128xf32, #tpu.memory_space<hbm>> -> memref<80x128xf32, #tpu.memory_space<hbm>>
        %dma_wait3A_135 = arith.constant 0 : i32
        %dma_wait3A_136 = arith.constant 0 : i32
        %dma_wait3A_137 = tpu.memref_slice %arg3[%dma_wait3A_135, %dma_wait3A_136] : memref<320000x128xf32, #tpu.memory_space<hbm>> -> memref<80x128xf32, #tpu.memory_space<hbm>>
        tpu.wait_dma2 semaphore(%arg14 : memref<!tpu.dma_semaphore, #tpu.memory_space<semaphore_mem>>) src(%dma_wait3A_137 : memref<80x128xf32, #tpu.memory_space<hbm>>) dst(%arg11 : memref<80x128xf32, #tpu.memory_space<vmem>>)
        %add3A_138 = arith.constant 1 : i32
        %add3A_139 = arith.addi %mul3A_80, %add3A_138 : i32
        %parallel_loop3A_140 = arith.constant 0 : i32
        %parallel_loop3A_141 = arith.constant 80 : i32
        %parallel_loop3A_142 = arith.constant 1 : i32
        scf.for %parallel_loop3A_143 = %parallel_loop3A_140 to %parallel_loop3A_141 step %parallel_loop3A_142  : i32 {
          %parallel_loop3A_144 = arith.index_cast %parallel_loop3A_143 : i32 to index
          %parallel_loop3A_145 = arith.constant 0 : index
          %parallel_loop3A_146 = tpu.vector_load %arg9[%parallel_loop3A_144, %parallel_loop3A_145] {strides = array<i32>} : memref<80x128xf32, #tpu.memory_space<vmem>>, vector<1x16xf32>,
          %parallel_loop3A_147 = vector.shape_cast %parallel_loop3A_146 : vector<1x16xf32> to vector<16xf32>
          %parallel_loop3A_148 = arith.index_cast %parallel_loop3A_143 : i32 to index
          %parallel_loop3A_149 = arith.constant 0 : index
          %parallel_loop3A_150 = tpu.vector_load %arg11[%parallel_loop3A_148, %parallel_loop3A_149] {strides = array<i32>} : memref<80x128xf32, #tpu.memory_space<vmem>>, vector<1x16xf32>,
          %parallel_loop3A_151 = vector.shape_cast %parallel_loop3A_150 : vector<1x16xf32> to vector<16xf32>
          %parallel_loop3A_152 = arith.addf %parallel_loop3A_147, %parallel_loop3A_151 : vector<16xf32>
          %parallel_loop3A_153 = arith.constant 0.00999999977 : f32
          %parallel_loop3A_154 = vector.broadcast %parallel_loop3A_153 : f32 to vector<16xf32>
          %parallel_loop3A_155 = arith.mulf %parallel_loop3A_152, %parallel_loop3A_154 : vector<16xf32>
          %parallel_loop3A_156 = arith.maximumf %parallel_loop3A_152, %parallel_loop3A_155 : vector<16xf32>
          %parallel_loop3A_157 = arith.index_cast %parallel_loop3A_143 : i32 to index
          %parallel_loop3A_158 = arith.constant 0 : index
          %parallel_loop3A_159 = tpu.vector_load %arg11[%parallel_loop3A_157, %parallel_loop3A_158] {strides = array<i32>} : memref<80x128xf32, #tpu.memory_space<vmem>>, vector<1x16xf32>,
          %parallel_loop3A_160 = vector.shape_cast %parallel_loop3A_159 : vector<1x16xf32> to vector<16xf32>
          %parallel_loop3A_161 = vector.shape_cast %parallel_loop3A_156 : vector<16xf32> to vector<1x16xf32>
          tpu.vector_store %arg11[%parallel_loop3A_157, %parallel_loop3A_158], %parallel_loop3A_161 {strides = array<i32>} : memref<80x128xf32, #tpu.memory_space<vmem>>, vector<1x16xf32>,
          %parallel_loop3A_162 = arith.index_cast %parallel_loop3A_143 : i32 to index
          %parallel_loop3A_163 = arith.constant 16 : index
          %parallel_loop3A_164 = tpu.vector_load %arg9[%parallel_loop3A_162, %parallel_loop3A_163] {strides = array<i32>} : memref<80x128xf32, #tpu.memory_space<vmem>>, vector<1x16xf32>,
          %parallel_loop3A_165 = vector.shape_cast %parallel_loop3A_164 : vector<1x16xf32> to vector<16xf32>
          %parallel_loop3A_166 = arith.index_cast %parallel_loop3A_143 : i32 to index
          %parallel_loop3A_167 = arith.constant 16 : index
          %parallel_loop3A_168 = tpu.vector_load %arg11[%parallel_loop3A_166, %parallel_loop3A_167] {strides = array<i32>} : memref<80x128xf32, #tpu.memory_space<vmem>>, vector<1x16xf32>,
          %parallel_loop3A_169 = vector.shape_cast %parallel_loop3A_168 : vector<1x16xf32> to vector<16xf32>
          %parallel_loop3A_170 = arith.addf %parallel_loop3A_165, %parallel_loop3A_169 : vector<16xf32>
          %parallel_loop3A_171 = arith.constant 0.00999999977 : f32
          %parallel_loop3A_172 = vector.broadcast %parallel_loop3A_171 : f32 to vector<16xf32>
          %parallel_loop3A_173 = arith.mulf %parallel_loop3A_170, %parallel_loop3A_172 : vector<16xf32>
          %parallel_loop3A_174 = arith.maximumf %parallel_loop3A_170, %parallel_loop3A_173 : vector<16xf32>
          %parallel_loop3A_175 = arith.index_cast %parallel_loop3A_143 : i32 to index
          %parallel_loop3A_176 = arith.constant 16 : index
          %parallel_loop3A_177 = tpu.vector_load %arg11[%parallel_loop3A_175, %parallel_loop3A_176] {strides = array<i32>} : memref<80x128xf32, #tpu.memory_space<vmem>>, vector<1x16xf32>,
          %parallel_loop3A_178 = vector.shape_cast %parallel_loop3A_177 : vector<1x16xf32> to vector<16xf32>
          %parallel_loop3A_179 = vector.shape_cast %parallel_loop3A_174 : vector<16xf32> to vector<1x16xf32>
          tpu.vector_store %arg11[%parallel_loop3A_175, %parallel_loop3A_176], %parallel_loop3A_179 {strides = array<i32>} : memref<80x128xf32, #tpu.memory_space<vmem>>, vector<1x16xf32>,
          %parallel_loop3A_180 = arith.index_cast %parallel_loop3A_143 : i32 to index
          %parallel_loop3A_181 = arith.constant 32 : index
          %parallel_loop3A_182 = tpu.vector_load %arg9[%parallel_loop3A_180, %parallel_loop3A_181] {strides = array<i32>} : memref<80x128xf32, #tpu.memory_space<vmem>>, vector<1x16xf32>,
          %parallel_loop3A_183 = vector.shape_cast %parallel_loop3A_182 : vector<1x16xf32> to vector<16xf32>
          %parallel_loop3A_184 = arith.index_cast %parallel_loop3A_143 : i32 to index
          %parallel_loop3A_185 = arith.constant 32 : index
          %parallel_loop3A_186 = tpu.vector_load %arg11[%parallel_loop3A_184, %parallel_loop3A_185] {strides = array<i32>} : memref<80x128xf32, #tpu.memory_space<vmem>>, vector<1x16xf32>,
          %parallel_loop3A_187 = vector.shape_cast %parallel_loop3A_186 : vector<1x16xf32> to vector<16xf32>
          %parallel_loop3A_188 = arith.addf %parallel_loop3A_183, %parallel_loop3A_187 : vector<16xf32>
          %parallel_loop3A_189 = arith.constant 0.00999999977 : f32
          %parallel_loop3A_190 = vector.broadcast %parallel_loop3A_189 : f32 to vector<16xf32>
          %parallel_loop3A_191 = arith.mulf %parallel_loop3A_188, %parallel_loop3A_190 : vector<16xf32>
          %parallel_loop3A_192 = arith.maximumf %parallel_loop3A_188, %parallel_loop3A_191 : vector<16xf32>
          %parallel_loop3A_193 = arith.index_cast %parallel_loop3A_143 : i32 to index
          %parallel_loop3A_194 = arith.constant 32 : index
          %parallel_loop3A_195 = tpu.vector_load %arg11[%parallel_loop3A_193, %parallel_loop3A_194] {strides = array<i32>} : memref<80x128xf32, #tpu.memory_space<vmem>>, vector<1x16xf32>,
          %parallel_loop3A_196 = vector.shape_cast %parallel_loop3A_195 : vector<1x16xf32> to vector<16xf32>
          %parallel_loop3A_197 = vector.shape_cast %parallel_loop3A_192 : vector<16xf32> to vector<1x16xf32>
          tpu.vector_store %arg11[%parallel_loop3A_193, %parallel_loop3A_194], %parallel_loop3A_197 {strides = array<i32>} : memref<80x128xf32, #tpu.memory_space<vmem>>, vector<1x16xf32>,
          %parallel_loop3A_198 = arith.index_cast %parallel_loop3A_143 : i32 to index
          %parallel_loop3A_199 = arith.constant 48 : index
          %parallel_loop3A_200 = tpu.vector_load %arg9[%parallel_loop3A_198, %parallel_loop3A_199] {strides = array<i32>} : memref<80x128xf32, #tpu.memory_space<vmem>>, vector<1x16xf32>,
          %parallel_loop3A_201 = vector.shape_cast %parallel_loop3A_200 : vector<1x16xf32> to vector<16xf32>
          %parallel_loop3A_202 = arith.index_cast %parallel_loop3A_143 : i32 to index
          %parallel_loop3A_203 = arith.constant 48 : index
          %parallel_loop3A_204 = tpu.vector_load %arg11[%parallel_loop3A_202, %parallel_loop3A_203] {strides = array<i32>} : memref<80x128xf32, #tpu.memory_space<vmem>>, vector<1x16xf32>,
          %parallel_loop3A_205 = vector.shape_cast %parallel_loop3A_204 : vector<1x16xf32> to vector<16xf32>
          %parallel_loop3A_206 = arith.addf %parallel_loop3A_201, %parallel_loop3A_205 : vector<16xf32>
          %parallel_loop3A_207 = arith.constant 0.00999999977 : f32
          %parallel_loop3A_208 = vector.broadcast %parallel_loop3A_207 : f32 to vector<16xf32>
          %parallel_loop3A_209 = arith.mulf %parallel_loop3A_206, %parallel_loop3A_208 : vector<16xf32>
          %parallel_loop3A_210 = arith.maximumf %parallel_loop3A_206, %parallel_loop3A_209 : vector<16xf32>
          %parallel_loop3A_211 = arith.index_cast %parallel_loop3A_143 : i32 to index
          %parallel_loop3A_212 = arith.constant 48 : index
          %parallel_loop3A_213 = tpu.vector_load %arg11[%parallel_loop3A_211, %parallel_loop3A_212] {strides = array<i32>} : memref<80x128xf32, #tpu.memory_space<vmem>>, vector<1x16xf32>,
          %parallel_loop3A_214 = vector.shape_cast %parallel_loop3A_213 : vector<1x16xf32> to vector<16xf32>
          %parallel_loop3A_215 = vector.shape_cast %parallel_loop3A_210 : vector<16xf32> to vector<1x16xf32>
          tpu.vector_store %arg11[%parallel_loop3A_211, %parallel_loop3A_212], %parallel_loop3A_215 {strides = array<i32>} : memref<80x128xf32, #tpu.memory_space<vmem>>, vector<1x16xf32>,
          %parallel_loop3A_216 = arith.index_cast %parallel_loop3A_143 : i32 to index
          %parallel_loop3A_217 = arith.constant 64 : index
          %parallel_loop3A_218 = tpu.vector_load %arg9[%parallel_loop3A_216, %parallel_loop3A_217] {strides = array<i32>} : memref<80x128xf32, #tpu.memory_space<vmem>>, vector<1x16xf32>,
          %parallel_loop3A_219 = vector.shape_cast %parallel_loop3A_218 : vector<1x16xf32> to vector<16xf32>
          %parallel_loop3A_220 = arith.index_cast %parallel_loop3A_143 : i32 to index
          %parallel_loop3A_221 = arith.constant 64 : index
          %parallel_loop3A_222 = tpu.vector_load %arg11[%parallel_loop3A_220, %parallel_loop3A_221] {strides = array<i32>} : memref<80x128xf32, #tpu.memory_space<vmem>>, vector<1x16xf32>,
          %parallel_loop3A_223 = vector.shape_cast %parallel_loop3A_222 : vector<1x16xf32> to vector<16xf32>
          %parallel_loop3A_224 = arith.addf %parallel_loop3A_219, %parallel_loop3A_223 : vector<16xf32>
          %parallel_loop3A_225 = arith.constant 0.00999999977 : f32
          %parallel_loop3A_226 = vector.broadcast %parallel_loop3A_225 : f32 to vector<16xf32>
          %parallel_loop3A_227 = arith.mulf %parallel_loop3A_224, %parallel_loop3A_226 : vector<16xf32>
          %parallel_loop3A_228 = arith.maximumf %parallel_loop3A_224, %parallel_loop3A_227 : vector<16xf32>
          %parallel_loop3A_229 = arith.index_cast %parallel_loop3A_143 : i32 to index
          %parallel_loop3A_230 = arith.constant 64 : index
          %parallel_loop3A_231 = tpu.vector_load %arg11[%parallel_loop3A_229, %parallel_loop3A_230] {strides = array<i32>} : memref<80x128xf32, #tpu.memory_space<vmem>>, vector<1x16xf32>,
          %parallel_loop3A_232 = vector.shape_cast %parallel_loop3A_231 : vector<1x16xf32> to vector<16xf32>
          %parallel_loop3A_233 = vector.shape_cast %parallel_loop3A_228 : vector<16xf32> to vector<1x16xf32>
          tpu.vector_store %arg11[%parallel_loop3A_229, %parallel_loop3A_230], %parallel_loop3A_233 {strides = array<i32>} : memref<80x128xf32, #tpu.memory_space<vmem>>, vector<1x16xf32>,
          %parallel_loop3A_234 = arith.index_cast %parallel_loop3A_143 : i32 to index
          %parallel_loop3A_235 = arith.constant 80 : index
          %parallel_loop3A_236 = tpu.vector_load %arg9[%parallel_loop3A_234, %parallel_loop3A_235] {strides = array<i32>} : memref<80x128xf32, #tpu.memory_space<vmem>>, vector<1x16xf32>,
          %parallel_loop3A_237 = vector.shape_cast %parallel_loop3A_236 : vector<1x16xf32> to vector<16xf32>
          %parallel_loop3A_238 = arith.index_cast %parallel_loop3A_143 : i32 to index
          %parallel_loop3A_239 = arith.constant 80 : index
          %parallel_loop3A_240 = tpu.vector_load %arg11[%parallel_loop3A_238, %parallel_loop3A_239] {strides = array<i32>} : memref<80x128xf32, #tpu.memory_space<vmem>>, vector<1x16xf32>,
          %parallel_loop3A_241 = vector.shape_cast %parallel_loop3A_240 : vector<1x16xf32> to vector<16xf32>
          %parallel_loop3A_242 = arith.addf %parallel_loop3A_237, %parallel_loop3A_241 : vector<16xf32>
          %parallel_loop3A_243 = arith.constant 0.00999999977 : f32
          %parallel_loop3A_244 = vector.broadcast %parallel_loop3A_243 : f32 to vector<16xf32>
          %parallel_loop3A_245 = arith.mulf %parallel_loop3A_242, %parallel_loop3A_244 : vector<16xf32>
          %parallel_loop3A_246 = arith.maximumf %parallel_loop3A_242, %parallel_loop3A_245 : vector<16xf32>
          %parallel_loop3A_247 = arith.index_cast %parallel_loop3A_143 : i32 to index
          %parallel_loop3A_248 = arith.constant 80 : index
          %parallel_loop3A_249 = tpu.vector_load %arg11[%parallel_loop3A_247, %parallel_loop3A_248] {strides = array<i32>} : memref<80x128xf32, #tpu.memory_space<vmem>>, vector<1x16xf32>,
          %parallel_loop3A_250 = vector.shape_cast %parallel_loop3A_249 : vector<1x16xf32> to vector<16xf32>
          %parallel_loop3A_251 = vector.shape_cast %parallel_loop3A_246 : vector<16xf32> to vector<1x16xf32>
          tpu.vector_store %arg11[%parallel_loop3A_247, %parallel_loop3A_248], %parallel_loop3A_251 {strides = array<i32>} : memref<80x128xf32, #tpu.memory_space<vmem>>, vector<1x16xf32>,
          %parallel_loop3A_252 = arith.index_cast %parallel_loop3A_143 : i32 to index
          %parallel_loop3A_253 = arith.constant 96 : index
          %parallel_loop3A_254 = tpu.vector_load %arg9[%parallel_loop3A_252, %parallel_loop3A_253] {strides = array<i32>} : memref<80x128xf32, #tpu.memory_space<vmem>>, vector<1x16xf32>,
          %parallel_loop3A_255 = vector.shape_cast %parallel_loop3A_254 : vector<1x16xf32> to vector<16xf32>
          %parallel_loop3A_256 = arith.index_cast %parallel_loop3A_143 : i32 to index
          %parallel_loop3A_257 = arith.constant 96 : index
          %parallel_loop3A_258 = tpu.vector_load %arg11[%parallel_loop3A_256, %parallel_loop3A_257] {strides = array<i32>} : memref<80x128xf32, #tpu.memory_space<vmem>>, vector<1x16xf32>,
          %parallel_loop3A_259 = vector.shape_cast %parallel_loop3A_258 : vector<1x16xf32> to vector<16xf32>
          %parallel_loop3A_260 = arith.addf %parallel_loop3A_255, %parallel_loop3A_259 : vector<16xf32>
          %parallel_loop3A_261 = arith.constant 0.00999999977 : f32
          %parallel_loop3A_262 = vector.broadcast %parallel_loop3A_261 : f32 to vector<16xf32>
          %parallel_loop3A_263 = arith.mulf %parallel_loop3A_260, %parallel_loop3A_262 : vector<16xf32>
          %parallel_loop3A_264 = arith.maximumf %parallel_loop3A_260, %parallel_loop3A_263 : vector<16xf32>
          %parallel_loop3A_265 = arith.index_cast %parallel_loop3A_143 : i32 to index
          %parallel_loop3A_266 = arith.constant 96 : index
          %parallel_loop3A_267 = tpu.vector_load %arg11[%parallel_loop3A_265, %parallel_loop3A_266] {strides = array<i32>} : memref<80x128xf32, #tpu.memory_space<vmem>>, vector<1x16xf32>,
          %parallel_loop3A_268 = vector.shape_cast %parallel_loop3A_267 : vector<1x16xf32> to vector<16xf32>
          %parallel_loop3A_269 = vector.shape_cast %parallel_loop3A_264 : vector<16xf32> to vector<1x16xf32>
          tpu.vector_store %arg11[%parallel_loop3A_265, %parallel_loop3A_266], %parallel_loop3A_269 {strides = array<i32>} : memref<80x128xf32, #tpu.memory_space<vmem>>, vector<1x16xf32>,
          %parallel_loop3A_270 = arith.index_cast %parallel_loop3A_143 : i32 to index
          %parallel_loop3A_271 = arith.constant 112 : index
          %parallel_loop3A_272 = tpu.vector_load %arg9[%parallel_loop3A_270, %parallel_loop3A_271] {strides = array<i32>} : memref<80x128xf32, #tpu.memory_space<vmem>>, vector<1x16xf32>,
          %parallel_loop3A_273 = vector.shape_cast %parallel_loop3A_272 : vector<1x16xf32> to vector<16xf32>
          %parallel_loop3A_274 = arith.index_cast %parallel_loop3A_143 : i32 to index
          %parallel_loop3A_275 = arith.constant 112 : index
          %parallel_loop3A_276 = tpu.vector_load %arg11[%parallel_loop3A_274, %parallel_loop3A_275] {strides = array<i32>} : memref<80x128xf32, #tpu.memory_space<vmem>>, vector<1x16xf32>,
          %parallel_loop3A_277 = vector.shape_cast %parallel_loop3A_276 : vector<1x16xf32> to vector<16xf32>
          %parallel_loop3A_278 = arith.addf %parallel_loop3A_273, %parallel_loop3A_277 : vector<16xf32>
          %parallel_loop3A_279 = arith.constant 0.00999999977 : f32
          %parallel_loop3A_280 = vector.broadcast %parallel_loop3A_279 : f32 to vector<16xf32>
          %parallel_loop3A_281 = arith.mulf %parallel_loop3A_278, %parallel_loop3A_280 : vector<16xf32>
          %parallel_loop3A_282 = arith.maximumf %parallel_loop3A_278, %parallel_loop3A_281 : vector<16xf32>
          %parallel_loop3A_283 = arith.index_cast %parallel_loop3A_143 : i32 to index
          %parallel_loop3A_284 = arith.constant 112 : index
          %parallel_loop3A_285 = tpu.vector_load %arg11[%parallel_loop3A_283, %parallel_loop3A_284] {strides = array<i32>} : memref<80x128xf32, #tpu.memory_space<vmem>>, vector<1x16xf32>,
          %parallel_loop3A_286 = vector.shape_cast %parallel_loop3A_285 : vector<1x16xf32> to vector<16xf32>
          %parallel_loop3A_287 = vector.shape_cast %parallel_loop3A_282 : vector<16xf32> to vector<1x16xf32>
          tpu.vector_store %arg11[%parallel_loop3A_283, %parallel_loop3A_284], %parallel_loop3A_287 {strides = array<i32>} : memref<80x128xf32, #tpu.memory_space<vmem>>, vector<1x16xf32>,
        } {sc.loop_unroll_factor = 1 : i64, sc.parallel_access}
        "tpu.region"() ({
          %run_scoped3A_143 = tpu.sem_alloc : memref<!tpu.dma_semaphore, #tpu.memory_space<semaphore_mem>>
          %dma_start3A_144 = arith.constant 0 : i32
          %dma_start3A_145 = tpu.memref_slice %arg7[%add3A_139, %dma_start3A_144] : memref<25x80xi32, #tpu.memory_space<vmem>> -> memref<1x80xi32, #tpu.memory_space<vmem>>
          %dma_start3A_146 = tpu.memref_squeeze %dma_start3A_145 : memref<1x80xi32, #tpu.memory_space<vmem>> -> memref<80xi32, #tpu.memory_space<vmem>>
          %dma_start3A_147 = arith.constant 0 : i32
          %dma_start3A_148 = arith.constant 0 : i32
          %dma_start3A_149 = tpu.memref_slice %arg12[%dma_start3A_147, %dma_start3A_148] : memref<10240x128xf32, #tpu.memory_space<vmem_shared>> -> memref<10240x128xf32, #tpu.memory_space<vmem_shared>>
          tpu.enqueue_indirect_dma source(%arg11 : memref<80x128xf32, #tpu.memory_space<vmem>>) target(%dma_start3A_149 : memref<10240x128xf32, #tpu.memory_space<vmem_shared>>) offsets(%dma_start3A_146 : memref<80xi32, #tpu.memory_space<vmem>>) semaphore(%run_scoped3A_143 : memref<!tpu.dma_semaphore, #tpu.memory_space<semaphore_mem>>) {add = true}
          %dma_wait3A_150 = arith.constant 0 : i32
          %dma_wait3A_151 = tpu.memref_slice %arg7[%add3A_139, %dma_wait3A_150] : memref<25x80xi32, #tpu.memory_space<vmem>> -> memref<1x80xi32, #tpu.memory_space<vmem>>
          %dma_wait3A_152 = tpu.memref_squeeze %dma_wait3A_151 : memref<1x80xi32, #tpu.memory_space<vmem>> -> memref<80xi32, #tpu.memory_space<vmem>>
          %dma_wait3A_153 = arith.constant 0 : i32
          %dma_wait3A_154 = arith.constant 0 : i32
          %dma_wait3A_155 = tpu.memref_slice %arg12[%dma_wait3A_153, %dma_wait3A_154] : memref<10240x128xf32, #tpu.memory_space<vmem_shared>> -> memref<10240x128xf32, #tpu.memory_space<vmem_shared>>
          tpu.wait_indirect_dma semaphore(%run_scoped3A_143 : memref<!tpu.dma_semaphore, #tpu.memory_space<semaphore_mem>>) src(%arg11 : memref<80x128xf32, #tpu.memory_space<vmem>>) dst(%dma_wait3A_155 : memref<10240x128xf32, #tpu.memory_space<vmem_shared>>)
          tpu.yield
        }) : () -> ()
      }
      %scan3A_64 = arith.constant 12 : i32
      %dma_wait3A = arith.constant 0 : i32
      %dma_wait3A_65 = arith.constant 0 : i32
      %dma_wait3A_66 = tpu.memref_slice %arg3[%dma_wait3A, %dma_wait3A_65] : memref<320000x128xf32, #tpu.memory_space<hbm>> -> memref<80x128xf32, #tpu.memory_space<hbm>>
      %dma_wait3A_67 = arith.constant 0 : i32
      %dma_wait3A_68 = arith.constant 0 : i32
      %dma_wait3A_69 = tpu.memref_slice %arg3[%dma_wait3A_67, %dma_wait3A_68] : memref<320000x128xf32, #tpu.memory_space<hbm>> -> memref<80x128xf32, #tpu.memory_space<hbm>>
      tpu.wait_dma2 semaphore(%arg13 : memref<!tpu.dma_semaphore, #tpu.memory_space<semaphore_mem>>) src(%dma_wait3A_69 : memref<80x128xf32, #tpu.memory_space<hbm>>) dst(%arg8 : memref<80x128xf32, #tpu.memory_space<vmem>>)
      %dma_wait3A_70 = arith.constant 0 : i32
      %dma_wait3A_71 = arith.constant 0 : i32
      %dma_wait3A_72 = tpu.memref_slice %arg3[%dma_wait3A_70, %dma_wait3A_71] : memref<320000x128xf32, #tpu.memory_space<hbm>> -> memref<80x128xf32, #tpu.memory_space<hbm>>
      %dma_wait3A_73 = arith.constant 0 : i32
      %dma_wait3A_74 = arith.constant 0 : i32
      %dma_wait3A_75 = tpu.memref_slice %arg3[%dma_wait3A_73, %dma_wait3A_74] : memref<320000x128xf32, #tpu.memory_space<hbm>> -> memref<80x128xf32, #tpu.memory_space<hbm>>
      tpu.wait_dma2 semaphore(%arg13 : memref<!tpu.dma_semaphore, #tpu.memory_space<semaphore_mem>>) src(%dma_wait3A_75 : memref<80x128xf32, #tpu.memory_space<hbm>>) dst(%arg10 : memref<80x128xf32, #tpu.memory_space<vmem>>)
      %parallel_loop3A = arith.constant 0 : i32
      %parallel_loop3A_76 = arith.constant 80 : i32
      %parallel_loop3A_77 = arith.constant 1 : i32
      scf.for %parallel_loop3A_78 = %parallel_loop3A to %parallel_loop3A_76 step %parallel_loop3A_77  : i32 {
        %parallel_loop3A_79 = arith.index_cast %parallel_loop3A_78 : i32 to index
        %parallel_loop3A_80 = arith.constant 0 : index
        %parallel_loop3A_81 = tpu.vector_load %arg8[%parallel_loop3A_79, %parallel_loop3A_80] {strides = array<i32>} : memref<80x128xf32, #tpu.memory_space<vmem>>, vector<1x16xf32>,
        %parallel_loop3A_82 = vector.shape_cast %parallel_loop3A_81 : vector<1x16xf32> to vector<16xf32>
        %parallel_loop3A_83 = arith.index_cast %parallel_loop3A_78 : i32 to index
        %parallel_loop3A_84 = arith.constant 0 : index
        %parallel_loop3A_85 = tpu.vector_load %arg10[%parallel_loop3A_83, %parallel_loop3A_84] {strides = array<i32>} : memref<80x128xf32, #tpu.memory_space<vmem>>, vector<1x16xf32>,
        %parallel_loop3A_86 = vector.shape_cast %parallel_loop3A_85 : vector<1x16xf32> to vector<16xf32>
        %parallel_loop3A_87 = arith.addf %parallel_loop3A_82, %parallel_loop3A_86 : vector<16xf32>
        %parallel_loop3A_88 = arith.constant 0.00999999977 : f32
        %parallel_loop3A_89 = vector.broadcast %parallel_loop3A_88 : f32 to vector<16xf32>
        %parallel_loop3A_90 = arith.mulf %parallel_loop3A_87, %parallel_loop3A_89 : vector<16xf32>
        %parallel_loop3A_91 = arith.maximumf %parallel_loop3A_87, %parallel_loop3A_90 : vector<16xf32>
        %parallel_loop3A_92 = arith.index_cast %parallel_loop3A_78 : i32 to index
        %parallel_loop3A_93 = arith.constant 0 : index
        %parallel_loop3A_94 = tpu.vector_load %arg10[%parallel_loop3A_92, %parallel_loop3A_93] {strides = array<i32>} : memref<80x128xf32, #tpu.memory_space<vmem>>, vector<1x16xf32>,
        %parallel_loop3A_95 = vector.shape_cast %parallel_loop3A_94 : vector<1x16xf32> to vector<16xf32>
        %parallel_loop3A_96 = vector.shape_cast %parallel_loop3A_91 : vector<16xf32> to vector<1x16xf32>
        tpu.vector_store %arg10[%parallel_loop3A_92, %parallel_loop3A_93], %parallel_loop3A_96 {strides = array<i32>} : memref<80x128xf32, #tpu.memory_space<vmem>>, vector<1x16xf32>,
        %parallel_loop3A_97 = arith.index_cast %parallel_loop3A_78 : i32 to index
        %parallel_loop3A_98 = arith.constant 16 : index
        %parallel_loop3A_99 = tpu.vector_load %arg8[%parallel_loop3A_97, %parallel_loop3A_98] {strides = array<i32>} : memref<80x128xf32, #tpu.memory_space<vmem>>, vector<1x16xf32>,
        %parallel_loop3A_100 = vector.shape_cast %parallel_loop3A_99 : vector<1x16xf32> to vector<16xf32>
        %parallel_loop3A_101 = arith.index_cast %parallel_loop3A_78 : i32 to index
        %parallel_loop3A_102 = arith.constant 16 : index
        %parallel_loop3A_103 = tpu.vector_load %arg10[%parallel_loop3A_101, %parallel_loop3A_102] {strides = array<i32>} : memref<80x128xf32, #tpu.memory_space<vmem>>, vector<1x16xf32>,
        %parallel_loop3A_104 = vector.shape_cast %parallel_loop3A_103 : vector<1x16xf32> to vector<16xf32>
        %parallel_loop3A_105 = arith.addf %parallel_loop3A_100, %parallel_loop3A_104 : vector<16xf32>
        %parallel_loop3A_106 = arith.constant 0.00999999977 : f32
        %parallel_loop3A_107 = vector.broadcast %parallel_loop3A_106 : f32 to vector<16xf32>
        %parallel_loop3A_108 = arith.mulf %parallel_loop3A_105, %parallel_loop3A_107 : vector<16xf32>
        %parallel_loop3A_109 = arith.maximumf %parallel_loop3A_105, %parallel_loop3A_108 : vector<16xf32>
        %parallel_loop3A_110 = arith.index_cast %parallel_loop3A_78 : i32 to index
        %parallel_loop3A_111 = arith.constant 16 : index
        %parallel_loop3A_112 = tpu.vector_load %arg10[%parallel_loop3A_110, %parallel_loop3A_111] {strides = array<i32>} : memref<80x128xf32, #tpu.memory_space<vmem>>, vector<1x16xf32>,
        %parallel_loop3A_113 = vector.shape_cast %parallel_loop3A_112 : vector<1x16xf32> to vector<16xf32>
        %parallel_loop3A_114 = vector.shape_cast %parallel_loop3A_109 : vector<16xf32> to vector<1x16xf32>
        tpu.vector_store %arg10[%parallel_loop3A_110, %parallel_loop3A_111], %parallel_loop3A_114 {strides = array<i32>} : memref<80x128xf32, #tpu.memory_space<vmem>>, vector<1x16xf32>,
        %parallel_loop3A_115 = arith.index_cast %parallel_loop3A_78 : i32 to index
        %parallel_loop3A_116 = arith.constant 32 : index
        %parallel_loop3A_117 = tpu.vector_load %arg8[%parallel_loop3A_115, %parallel_loop3A_116] {strides = array<i32>} : memref<80x128xf32, #tpu.memory_space<vmem>>, vector<1x16xf32>,
        %parallel_loop3A_118 = vector.shape_cast %parallel_loop3A_117 : vector<1x16xf32> to vector<16xf32>
        %parallel_loop3A_119 = arith.index_cast %parallel_loop3A_78 : i32 to index
        %parallel_loop3A_120 = arith.constant 32 : index
        %parallel_loop3A_121 = tpu.vector_load %arg10[%parallel_loop3A_119, %parallel_loop3A_120] {strides = array<i32>} : memref<80x128xf32, #tpu.memory_space<vmem>>, vector<1x16xf32>,
        %parallel_loop3A_122 = vector.shape_cast %parallel_loop3A_121 : vector<1x16xf32> to vector<16xf32>
        %parallel_loop3A_123 = arith.addf %parallel_loop3A_118, %parallel_loop3A_122 : vector<16xf32>
        %parallel_loop3A_124 = arith.constant 0.00999999977 : f32
        %parallel_loop3A_125 = vector.broadcast %parallel_loop3A_124 : f32 to vector<16xf32>
        %parallel_loop3A_126 = arith.mulf %parallel_loop3A_123, %parallel_loop3A_125 : vector<16xf32>
        %parallel_loop3A_127 = arith.maximumf %parallel_loop3A_123, %parallel_loop3A_126 : vector<16xf32>
        %parallel_loop3A_128 = arith.index_cast %parallel_loop3A_78 : i32 to index
        %parallel_loop3A_129 = arith.constant 32 : index
        %parallel_loop3A_130 = tpu.vector_load %arg10[%parallel_loop3A_128, %parallel_loop3A_129] {strides = array<i32>} : memref<80x128xf32, #tpu.memory_space<vmem>>, vector<1x16xf32>,
        %parallel_loop3A_131 = vector.shape_cast %parallel_loop3A_130 : vector<1x16xf32> to vector<16xf32>
        %parallel_loop3A_132 = vector.shape_cast %parallel_loop3A_127 : vector<16xf32> to vector<1x16xf32>
        tpu.vector_store %arg10[%parallel_loop3A_128, %parallel_loop3A_129], %parallel_loop3A_132 {strides = array<i32>} : memref<80x128xf32, #tpu.memory_space<vmem>>, vector<1x16xf32>,
        %parallel_loop3A_133 = arith.index_cast %parallel_loop3A_78 : i32 to index
        %parallel_loop3A_134 = arith.constant 48 : index
        %parallel_loop3A_135 = tpu.vector_load %arg8[%parallel_loop3A_133, %parallel_loop3A_134] {strides = array<i32>} : memref<80x128xf32, #tpu.memory_space<vmem>>, vector<1x16xf32>,
        %parallel_loop3A_136 = vector.shape_cast %parallel_loop3A_135 : vector<1x16xf32> to vector<16xf32>
        %parallel_loop3A_137 = arith.index_cast %parallel_loop3A_78 : i32 to index
        %parallel_loop3A_138 = arith.constant 48 : index
        %parallel_loop3A_139 = tpu.vector_load %arg10[%parallel_loop3A_137, %parallel_loop3A_138] {strides = array<i32>} : memref<80x128xf32, #tpu.memory_space<vmem>>, vector<1x16xf32>,
        %parallel_loop3A_140 = vector.shape_cast %parallel_loop3A_139 : vector<1x16xf32> to vector<16xf32>
        %parallel_loop3A_141 = arith.addf %parallel_loop3A_136, %parallel_loop3A_140 : vector<16xf32>
        %parallel_loop3A_142 = arith.constant 0.00999999977 : f32
        %parallel_loop3A_143 = vector.broadcast %parallel_loop3A_142 : f32 to vector<16xf32>
        %parallel_loop3A_144 = arith.mulf %parallel_loop3A_141, %parallel_loop3A_143 : vector<16xf32>
        %parallel_loop3A_145 = arith.maximumf %parallel_loop3A_141, %parallel_loop3A_144 : vector<16xf32>
        %parallel_loop3A_146 = arith.index_cast %parallel_loop3A_78 : i32 to index
        %parallel_loop3A_147 = arith.constant 48 : index
        %parallel_loop3A_148 = tpu.vector_load %arg10[%parallel_loop3A_146, %parallel_loop3A_147] {strides = array<i32>} : memref<80x128xf32, #tpu.memory_space<vmem>>, vector<1x16xf32>,
        %parallel_loop3A_149 = vector.shape_cast %parallel_loop3A_148 : vector<1x16xf32> to vector<16xf32>
        %parallel_loop3A_150 = vector.shape_cast %parallel_loop3A_145 : vector<16xf32> to vector<1x16xf32>
        tpu.vector_store %arg10[%parallel_loop3A_146, %parallel_loop3A_147], %parallel_loop3A_150 {strides = array<i32>} : memref<80x128xf32, #tpu.memory_space<vmem>>, vector<1x16xf32>,
        %parallel_loop3A_151 = arith.index_cast %parallel_loop3A_78 : i32 to index
        %parallel_loop3A_152 = arith.constant 64 : index
        %parallel_loop3A_153 = tpu.vector_load %arg8[%parallel_loop3A_151, %parallel_loop3A_152] {strides = array<i32>} : memref<80x128xf32, #tpu.memory_space<vmem>>, vector<1x16xf32>,
        %parallel_loop3A_154 = vector.shape_cast %parallel_loop3A_153 : vector<1x16xf32> to vector<16xf32>
        %parallel_loop3A_155 = arith.index_cast %parallel_loop3A_78 : i32 to index
        %parallel_loop3A_156 = arith.constant 64 : index
        %parallel_loop3A_157 = tpu.vector_load %arg10[%parallel_loop3A_155, %parallel_loop3A_156] {strides = array<i32>} : memref<80x128xf32, #tpu.memory_space<vmem>>, vector<1x16xf32>,
        %parallel_loop3A_158 = vector.shape_cast %parallel_loop3A_157 : vector<1x16xf32> to vector<16xf32>
        %parallel_loop3A_159 = arith.addf %parallel_loop3A_154, %parallel_loop3A_158 : vector<16xf32>
        %parallel_loop3A_160 = arith.constant 0.00999999977 : f32
        %parallel_loop3A_161 = vector.broadcast %parallel_loop3A_160 : f32 to vector<16xf32>
        %parallel_loop3A_162 = arith.mulf %parallel_loop3A_159, %parallel_loop3A_161 : vector<16xf32>
        %parallel_loop3A_163 = arith.maximumf %parallel_loop3A_159, %parallel_loop3A_162 : vector<16xf32>
        %parallel_loop3A_164 = arith.index_cast %parallel_loop3A_78 : i32 to index
        %parallel_loop3A_165 = arith.constant 64 : index
        %parallel_loop3A_166 = tpu.vector_load %arg10[%parallel_loop3A_164, %parallel_loop3A_165] {strides = array<i32>} : memref<80x128xf32, #tpu.memory_space<vmem>>, vector<1x16xf32>,
        %parallel_loop3A_167 = vector.shape_cast %parallel_loop3A_166 : vector<1x16xf32> to vector<16xf32>
        %parallel_loop3A_168 = vector.shape_cast %parallel_loop3A_163 : vector<16xf32> to vector<1x16xf32>
        tpu.vector_store %arg10[%parallel_loop3A_164, %parallel_loop3A_165], %parallel_loop3A_168 {strides = array<i32>} : memref<80x128xf32, #tpu.memory_space<vmem>>, vector<1x16xf32>,
        %parallel_loop3A_169 = arith.index_cast %parallel_loop3A_78 : i32 to index
        %parallel_loop3A_170 = arith.constant 80 : index
        %parallel_loop3A_171 = tpu.vector_load %arg8[%parallel_loop3A_169, %parallel_loop3A_170] {strides = array<i32>} : memref<80x128xf32, #tpu.memory_space<vmem>>, vector<1x16xf32>,
        %parallel_loop3A_172 = vector.shape_cast %parallel_loop3A_171 : vector<1x16xf32> to vector<16xf32>
        %parallel_loop3A_173 = arith.index_cast %parallel_loop3A_78 : i32 to index
        %parallel_loop3A_174 = arith.constant 80 : index
        %parallel_loop3A_175 = tpu.vector_load %arg10[%parallel_loop3A_173, %parallel_loop3A_174] {strides = array<i32>} : memref<80x128xf32, #tpu.memory_space<vmem>>, vector<1x16xf32>,
        %parallel_loop3A_176 = vector.shape_cast %parallel_loop3A_175 : vector<1x16xf32> to vector<16xf32>
        %parallel_loop3A_177 = arith.addf %parallel_loop3A_172, %parallel_loop3A_176 : vector<16xf32>
        %parallel_loop3A_178 = arith.constant 0.00999999977 : f32
        %parallel_loop3A_179 = vector.broadcast %parallel_loop3A_178 : f32 to vector<16xf32>
        %parallel_loop3A_180 = arith.mulf %parallel_loop3A_177, %parallel_loop3A_179 : vector<16xf32>
        %parallel_loop3A_181 = arith.maximumf %parallel_loop3A_177, %parallel_loop3A_180 : vector<16xf32>
        %parallel_loop3A_182 = arith.index_cast %parallel_loop3A_78 : i32 to index
        %parallel_loop3A_183 = arith.constant 80 : index
        %parallel_loop3A_184 = tpu.vector_load %arg10[%parallel_loop3A_182, %parallel_loop3A_183] {strides = array<i32>} : memref<80x128xf32, #tpu.memory_space<vmem>>, vector<1x16xf32>,
        %parallel_loop3A_185 = vector.shape_cast %parallel_loop3A_184 : vector<1x16xf32> to vector<16xf32>
        %parallel_loop3A_186 = vector.shape_cast %parallel_loop3A_181 : vector<16xf32> to vector<1x16xf32>
        tpu.vector_store %arg10[%parallel_loop3A_182, %parallel_loop3A_183], %parallel_loop3A_186 {strides = array<i32>} : memref<80x128xf32, #tpu.memory_space<vmem>>, vector<1x16xf32>,
        %parallel_loop3A_187 = arith.index_cast %parallel_loop3A_78 : i32 to index
        %parallel_loop3A_188 = arith.constant 96 : index
        %parallel_loop3A_189 = tpu.vector_load %arg8[%parallel_loop3A_187, %parallel_loop3A_188] {strides = array<i32>} : memref<80x128xf32, #tpu.memory_space<vmem>>, vector<1x16xf32>,
        %parallel_loop3A_190 = vector.shape_cast %parallel_loop3A_189 : vector<1x16xf32> to vector<16xf32>
        %parallel_loop3A_191 = arith.index_cast %parallel_loop3A_78 : i32 to index
        %parallel_loop3A_192 = arith.constant 96 : index
        %parallel_loop3A_193 = tpu.vector_load %arg10[%parallel_loop3A_191, %parallel_loop3A_192] {strides = array<i32>} : memref<80x128xf32, #tpu.memory_space<vmem>>, vector<1x16xf32>,
        %parallel_loop3A_194 = vector.shape_cast %parallel_loop3A_193 : vector<1x16xf32> to vector<16xf32>
        %parallel_loop3A_195 = arith.addf %parallel_loop3A_190, %parallel_loop3A_194 : vector<16xf32>
        %parallel_loop3A_196 = arith.constant 0.00999999977 : f32
        %parallel_loop3A_197 = vector.broadcast %parallel_loop3A_196 : f32 to vector<16xf32>
        %parallel_loop3A_198 = arith.mulf %parallel_loop3A_195, %parallel_loop3A_197 : vector<16xf32>
        %parallel_loop3A_199 = arith.maximumf %parallel_loop3A_195, %parallel_loop3A_198 : vector<16xf32>
        %parallel_loop3A_200 = arith.index_cast %parallel_loop3A_78 : i32 to index
        %parallel_loop3A_201 = arith.constant 96 : index
        %parallel_loop3A_202 = tpu.vector_load %arg10[%parallel_loop3A_200, %parallel_loop3A_201] {strides = array<i32>} : memref<80x128xf32, #tpu.memory_space<vmem>>, vector<1x16xf32>,
        %parallel_loop3A_203 = vector.shape_cast %parallel_loop3A_202 : vector<1x16xf32> to vector<16xf32>
        %parallel_loop3A_204 = vector.shape_cast %parallel_loop3A_199 : vector<16xf32> to vector<1x16xf32>
        tpu.vector_store %arg10[%parallel_loop3A_200, %parallel_loop3A_201], %parallel_loop3A_204 {strides = array<i32>} : memref<80x128xf32, #tpu.memory_space<vmem>>, vector<1x16xf32>,
        %parallel_loop3A_205 = arith.index_cast %parallel_loop3A_78 : i32 to index
        %parallel_loop3A_206 = arith.constant 112 : index
        %parallel_loop3A_207 = tpu.vector_load %arg8[%parallel_loop3A_205, %parallel_loop3A_206] {strides = array<i32>} : memref<80x128xf32, #tpu.memory_space<vmem>>, vector<1x16xf32>,
        %parallel_loop3A_208 = vector.shape_cast %parallel_loop3A_207 : vector<1x16xf32> to vector<16xf32>
        %parallel_loop3A_209 = arith.index_cast %parallel_loop3A_78 : i32 to index
        %parallel_loop3A_210 = arith.constant 112 : index
        %parallel_loop3A_211 = tpu.vector_load %arg10[%parallel_loop3A_209, %parallel_loop3A_210] {strides = array<i32>} : memref<80x128xf32, #tpu.memory_space<vmem>>, vector<1x16xf32>,
        %parallel_loop3A_212 = vector.shape_cast %parallel_loop3A_211 : vector<1x16xf32> to vector<16xf32>
        %parallel_loop3A_213 = arith.addf %parallel_loop3A_208, %parallel_loop3A_212 : vector<16xf32>
        %parallel_loop3A_214 = arith.constant 0.00999999977 : f32
        %parallel_loop3A_215 = vector.broadcast %parallel_loop3A_214 : f32 to vector<16xf32>
        %parallel_loop3A_216 = arith.mulf %parallel_loop3A_213, %parallel_loop3A_215 : vector<16xf32>
        %parallel_loop3A_217 = arith.maximumf %parallel_loop3A_213, %parallel_loop3A_216 : vector<16xf32>
        %parallel_loop3A_218 = arith.index_cast %parallel_loop3A_78 : i32 to index
        %parallel_loop3A_219 = arith.constant 112 : index
        %parallel_loop3A_220 = tpu.vector_load %arg10[%parallel_loop3A_218, %parallel_loop3A_219] {strides = array<i32>} : memref<80x128xf32, #tpu.memory_space<vmem>>, vector<1x16xf32>,
        %parallel_loop3A_221 = vector.shape_cast %parallel_loop3A_220 : vector<1x16xf32> to vector<16xf32>
        %parallel_loop3A_222 = vector.shape_cast %parallel_loop3A_217 : vector<16xf32> to vector<1x16xf32>
        tpu.vector_store %arg10[%parallel_loop3A_218, %parallel_loop3A_219], %parallel_loop3A_222 {strides = array<i32>} : memref<80x128xf32, #tpu.memory_space<vmem>>, vector<1x16xf32>,
      } {sc.loop_unroll_factor = 1 : i64, sc.parallel_access}
      %run_scoped3A = arith.constant 24 : i32
      "tpu.region"() ({
        %run_scoped3A_78 = tpu.sem_alloc : memref<!tpu.dma_semaphore, #tpu.memory_space<semaphore_mem>>
        %dma_start3A_79 = arith.constant 0 : i32
        %dma_start3A_80 = tpu.memref_slice %arg7[%run_scoped3A, %dma_start3A_79] : memref<25x80xi32, #tpu.memory_space<vmem>> -> memref<1x80xi32, #tpu.memory_space<vmem>>
        %dma_start3A_81 = tpu.memref_squeeze %dma_start3A_80 : memref<1x80xi32, #tpu.memory_space<vmem>> -> memref<80xi32, #tpu.memory_space<vmem>>
        %dma_start3A_82 = arith.constant 0 : i32
        %dma_start3A_83 = arith.constant 0 : i32
        %dma_start3A_84 = tpu.memref_slice %arg12[%dma_start3A_82, %dma_start3A_83] : memref<10240x128xf32, #tpu.memory_space<vmem_shared>> -> memref<10240x128xf32, #tpu.memory_space<vmem_shared>>
        tpu.enqueue_indirect_dma source(%arg10 : memref<80x128xf32, #tpu.memory_space<vmem>>) target(%dma_start3A_84 : memref<10240x128xf32, #tpu.memory_space<vmem_shared>>) offsets(%dma_start3A_81 : memref<80xi32, #tpu.memory_space<vmem>>) semaphore(%run_scoped3A_78 : memref<!tpu.dma_semaphore, #tpu.memory_space<semaphore_mem>>) {add = true}
        %dma_wait3A_85 = arith.constant 0 : i32
        %dma_wait3A_86 = tpu.memref_slice %arg7[%run_scoped3A, %dma_wait3A_85] : memref<25x80xi32, #tpu.memory_space<vmem>> -> memref<1x80xi32, #tpu.memory_space<vmem>>
        %dma_wait3A_87 = tpu.memref_squeeze %dma_wait3A_86 : memref<1x80xi32, #tpu.memory_space<vmem>> -> memref<80xi32, #tpu.memory_space<vmem>>
        %dma_wait3A_88 = arith.constant 0 : i32
        %dma_wait3A_89 = arith.constant 0 : i32
        %dma_wait3A_90 = tpu.memref_slice %arg12[%dma_wait3A_88, %dma_wait3A_89] : memref<10240x128xf32, #tpu.memory_space<vmem_shared>> -> memref<10240x128xf32, #tpu.memory_space<vmem_shared>>
        tpu.wait_indirect_dma semaphore(%run_scoped3A_78 : memref<!tpu.dma_semaphore, #tpu.memory_space<semaphore_mem>>) src(%arg10 : memref<80x128xf32, #tpu.memory_space<vmem>>) dst(%dma_wait3A_90 : memref<10240x128xf32, #tpu.memory_space<vmem_shared>>)
        tpu.yield
      }) : () -> ()
    }
    %scan3A_20 = arith.constant 5 : i32
    %barrier3A_21 = arith.constant 0 : index
    tpu.barrier barrier_id(%barrier3A_21)
    %mul3A_22 = arith.constant 10240 : i32
    %mul3A_23 = arith.muli %arg0, %mul3A_22 : i32
    %add3A_24 = arith.addi %mul3A_23, %mul3A_2 : i32
    %scan3A_25 = arith.constant 0 : i32
    %scan3A_26 = arith.constant 0 : i32
    %scan3A_27 = arith.constant 8 : i32
    %scan3A_28 = arith.addi %scan3A_26, %scan3A_27 : i32
    %scan3A_29 = arith.constant 1 : i32
    scf.for %scan3A_31 = %scan3A_26 to %scan3A_28 step %scan3A_29  : i32 {
      %mul3A_32 = arith.constant 80 : i32
      %mul3A_33 = arith.muli %scan3A_31, %mul3A_32 : i32
      %add3A_34 = arith.addi %mul3A_2, %mul3A_33 : i32
      "tpu.region"() ({
        %run_scoped3A = tpu.sem_alloc : memref<!tpu.dma_semaphore, #tpu.memory_space<semaphore_mem>>
        %dma_start3A = arith.constant 0 : i32
        %dma_start3A_38 = tpu.memref_slice %arg12[%add3A_34, %dma_start3A] : memref<10240x128xf32, #tpu.memory_space<vmem_shared>> -> memref<80x128xf32, #tpu.memory_space<vmem_shared>>
        %dma_start3A_39 = arith.constant 0 : i32
        %dma_start3A_40 = tpu.memref_slice %arg12[%add3A_34, %dma_start3A_39] : memref<10240x128xf32, #tpu.memory_space<vmem_shared>> -> memref<80x128xf32, #tpu.memory_space<vmem_shared>>
        tpu.enqueue_dma source(%dma_start3A_40 : memref<80x128xf32, #tpu.memory_space<vmem_shared>>) target(%arg8 : memref<80x128xf32, #tpu.memory_space<vmem>>) target_semaphore(%run_scoped3A : memref<!tpu.dma_semaphore, #tpu.memory_space<semaphore_mem>>)
        %dma_wait3A = arith.constant 0 : i32
        %dma_wait3A_41 = tpu.memref_slice %arg12[%add3A_34, %dma_wait3A] : memref<10240x128xf32, #tpu.memory_space<vmem_shared>> -> memref<80x128xf32, #tpu.memory_space<vmem_shared>>
        %dma_wait3A_42 = arith.constant 0 : i32
        %dma_wait3A_43 = tpu.memref_slice %arg12[%add3A_34, %dma_wait3A_42] : memref<10240x128xf32, #tpu.memory_space<vmem_shared>> -> memref<80x128xf32, #tpu.memory_space<vmem_shared>>
        tpu.wait_dma2 semaphore(%run_scoped3A : memref<!tpu.dma_semaphore, #tpu.memory_space<semaphore_mem>>) src(%dma_wait3A_43 : memref<80x128xf32, #tpu.memory_space<vmem_shared>>) dst(%arg8 : memref<80x128xf32, #tpu.memory_space<vmem>>)
        tpu.yield
      }) : () -> ()
      %mul3A_35 = arith.constant 80 : i32
      %mul3A_36 = arith.muli %scan3A_31, %mul3A_35 : i32
      %add3A_37 = arith.addi %add3A_24, %mul3A_36 : i32
      "tpu.region"() ({
        %run_scoped3A = tpu.sem_alloc : memref<!tpu.dma_semaphore, #tpu.memory_space<semaphore_mem>>
        %dma_start3A = arith.constant 0 : i32
        %dma_start3A_38 = tpu.memref_slice %arg5[%add3A_37, %dma_start3A] : memref<20480x128xf32, #tpu.memory_space<hbm>> -> memref<80x128xf32, #tpu.memory_space<hbm>>
        %dma_start3A_39 = arith.constant 0 : i32
        %dma_start3A_40 = tpu.memref_slice %arg5[%add3A_37, %dma_start3A_39] : memref<20480x128xf32, #tpu.memory_space<hbm>> -> memref<80x128xf32, #tpu.memory_space<hbm>>
        tpu.enqueue_dma source(%arg8 : memref<80x128xf32, #tpu.memory_space<vmem>>) target(%dma_start3A_40 : memref<80x128xf32, #tpu.memory_space<hbm>>) target_semaphore(%run_scoped3A : memref<!tpu.dma_semaphore, #tpu.memory_space<semaphore_mem>>)
        %dma_wait3A = arith.constant 0 : i32
        %dma_wait3A_41 = tpu.memref_slice %arg5[%add3A_37, %dma_wait3A] : memref<20480x128xf32, #tpu.memory_space<hbm>> -> memref<80x128xf32, #tpu.memory_space<hbm>>
        %dma_wait3A_42 = arith.constant 0 : i32
        %dma_wait3A_43 = tpu.memref_slice %arg5[%add3A_37, %dma_wait3A_42] : memref<20480x128xf32, #tpu.memory_space<hbm>> -> memref<80x128xf32, #tpu.memory_space<hbm>>
        tpu.wait_dma2 semaphore(%run_scoped3A : memref<!tpu.dma_semaphore, #tpu.memory_space<semaphore_mem>>) src(%arg8 : memref<80x128xf32, #tpu.memory_space<vmem>>) dst(%dma_wait3A_43 : memref<80x128xf32, #tpu.memory_space<hbm>>)
        tpu.yield
      }) : () -> ()
    }
    %scan3A_30 = arith.constant 8 : i32
    return
  }
}

module attributes {stable_mosaic.version = 14 : i64} {
  func.func @_p_body(%arg0: i32, %arg1: memref<16x12800xf32, #tpu.memory_space<vmem>>, %arg2: memref<16x128xf32, #tpu.memory_space<vmem>>, %arg3: memref<1x128xf32, #tpu.memory_space<vmem>>, %arg4: memref<128x128xf32, #tpu.memory_space<vmem>>, %arg5: memref<1x128xf32, #tpu.memory_space<vmem>>, %arg6: memref<12800x128xf32, #tpu.memory_space<vmem>>) attributes {dimension_semantics = [#tpu.dimension_semantics<arbitrary>], iteration_bounds = array<i64: 25>, scalar_prefetch = 0 : i64, scratch_operands = 0 : i64, tpu.core_type = #tpu.core_type<tc>, window_params = [{transform_indices = @transform_0, window_bounds = array<i64: 16, 12800>}, {pipeline_mode = #tpu.pipeline_mode<synchronous>, transform_indices = @transform_1, window_bounds = array<i64: 16, 128>}, {pipeline_mode = #tpu.pipeline_mode<synchronous>, transform_indices = @transform_2, window_bounds = array<i64: 1, 128>}, {pipeline_mode = #tpu.pipeline_mode<synchronous>, transform_indices = @transform_3, window_bounds = array<i64: 128, 128>}, {pipeline_mode = #tpu.pipeline_mode<synchronous>, transform_indices = @transform_4, window_bounds = array<i64: 1, 128>}, {transform_indices = @transform_5, window_bounds = array<i64: 12800, 128>}]} {
    %get3A = arith.constant 0 : index
    %get3A_0 = arith.constant 0 : index
    %get3A_1 = vector.load %arg2[%get3A, %get3A_0] : memref<16x128xf32, #tpu.memory_space<vmem>>, vector<16x128xf32>
    %get3A_2 = arith.constant 0 : index
    %get3A_3 = arith.constant 0 : index
    %get3A_4 = vector.load %arg4[%get3A_2, %get3A_3] : memref<128x128xf32, #tpu.memory_space<vmem>>, vector<128x128xf32>
    %dot_general3A = arith.constant dense<0.000000e+00> : vector<16x128xf32>
    %dot_general3A_5 = tpu.matmul %get3A_1, %get3A_4, %dot_general3A {dimension_numbers = #tpu.dot_dimension_numbers<[1], [0], [0], [1], [0, 0, 1, 1], [], []>, transpose_lhs_hint = false} : vector<16x128xf32>, vector<128x128xf32>, vector<16x128xf32> -> vector<16x128xf32>
    %get3A_6 = arith.constant 0 : index
    %get3A_7 = arith.constant 0 : index
    %get3A_8 = vector.load %arg3[%get3A_6, %get3A_7] : memref<1x128xf32, #tpu.memory_space<vmem>>, vector<1x128xf32>
    %get3A_9 = arith.constant 0 : index
    %get3A_10 = arith.constant 0 : index
    %get3A_11 = vector.load %arg4[%get3A_9, %get3A_10] : memref<128x128xf32, #tpu.memory_space<vmem>>, vector<128x128xf32>
    %dot_general3A_12 = arith.constant dense<0.000000e+00> : vector<1x128xf32>
    %dot_general3A_13 = tpu.matmul %get3A_8, %get3A_11, %dot_general3A_12 {dimension_numbers = #tpu.dot_dimension_numbers<[1], [0], [0], [1], [0, 0, 1, 1], [], []>, transpose_lhs_hint = false} : vector<1x128xf32>, vector<128x128xf32>, vector<1x128xf32> -> vector<1x128xf32>
    %get3A_14 = arith.constant 0 : index
    %get3A_15 = arith.constant 0 : index
    %get3A_16 = vector.load %arg5[%get3A_14, %get3A_15] : memref<1x128xf32, #tpu.memory_space<vmem>>, vector<1x128xf32>
    %add3A = arith.addf %dot_general3A_13, %get3A_16 : vector<1x128xf32>
    %get3A_17 = arith.constant 0 : index
    %get3A_18 = arith.constant 0 : index
    %get3A_19 = vector.load %arg1[%get3A_17, %get3A_18] : memref<16x12800xf32, #tpu.memory_space<vmem>>, vector<16x12800xf32>
    %dot_general3A_20 = arith.constant dense<0.000000e+00> : vector<12800x128xf32>
    %dot_general3A_21 = tpu.matmul %get3A_19, %dot_general3A_5, %dot_general3A_20 {dimension_numbers = #tpu.dot_dimension_numbers<[0], [0], [1], [1], [0, 1, 1, 1], [], []>, transpose_lhs_hint = false} : vector<16x12800xf32>, vector<16x128xf32>, vector<12800x128xf32> -> vector<12800x128xf32>
    %add3A_22 = vector.broadcast %add3A : vector<1x128xf32> to vector<12800x128xf32>
    %add3A_23 = arith.addf %dot_general3A_21, %add3A_22 : vector<12800x128xf32>
    %swap3A = arith.constant 0 : index
    %swap3A_24 = arith.constant 0 : index
    %swap3A_25 = vector.load %arg6[%swap3A, %swap3A_24] : memref<12800x128xf32, #tpu.memory_space<vmem>>, vector<12800x128xf32>
    tpu.vector_store %arg6[%swap3A, %swap3A_24], %add3A_23 {strides = array<i32>} : memref<12800x128xf32, #tpu.memory_space<vmem>>, vector<12800x128xf32>,
    return
  }
  func.func @transform_0(%arg0: i32) -> (i32, i32) {
    %c0_i32 = arith.constant 0 : i32
    %c0_i32_0 = arith.constant 0 : i32
    return %c0_i32, %arg0 : i32, i32
  }
  func.func @transform_1(%arg0: i32) -> (i32, i32) {
    %c0_i32 = arith.constant 0 : i32
    %c0_i32_0 = arith.constant 0 : i32
    %c0_i32_1 = arith.constant 0 : i32
    return %c0_i32, %c0_i32_0 : i32, i32
  }
  func.func @transform_2(%arg0: i32) -> (i32, i32) {
    %c0_i32 = arith.constant 0 : i32
    %c0_i32_0 = arith.constant 0 : i32
    %c0_i32_1 = arith.constant 0 : i32
    return %c0_i32, %c0_i32_0 : i32, i32
  }
  func.func @transform_3(%arg0: i32) -> (i32, i32) {
    %c0_i32 = arith.constant 0 : i32
    %c0_i32_0 = arith.constant 0 : i32
    %c0_i32_1 = arith.constant 0 : i32
    return %c0_i32, %c0_i32_0 : i32, i32
  }
  func.func @transform_4(%arg0: i32) -> (i32, i32) {
    %c0_i32 = arith.constant 0 : i32
    %c0_i32_0 = arith.constant 0 : i32
    %c0_i32_1 = arith.constant 0 : i32
    return %c0_i32, %c0_i32_0 : i32, i32
  }
  func.func @transform_5(%arg0: i32) -> (i32, i32) {
    %c0_i32 = arith.constant 0 : i32
    %c0_i32_0 = arith.constant 0 : i32
    return %arg0, %c0_i32 : i32, i32
  }
}

module attributes {stable_mosaic.version = 14 : i64} {
  func.func @_g_body(%arg0: i32, %arg1: memref<2000x128xf32, #tpu.memory_space<vmem>>, %arg2: memref<128x128xf32, #tpu.memory_space<vmem>>, %arg3: memref<1x128xf32, #tpu.memory_space<vmem>>, %arg4: memref<128x128xf32, #tpu.memory_space<vmem>>, %arg5: memref<2000x128xf32, #tpu.memory_space<vmem>>) attributes {dimension_semantics = [#tpu.dimension_semantics<arbitrary>], iteration_bounds = array<i64: 5>, scalar_prefetch = 0 : i64, scratch_operands = 0 : i64, tpu.core_type = #tpu.core_type<tc>, window_params = [{transform_indices = @transform_0, window_bounds = array<i64: 2000, 128>}, {pipeline_mode = #tpu.pipeline_mode<synchronous>, transform_indices = @transform_1, window_bounds = array<i64: 128, 128>}, {pipeline_mode = #tpu.pipeline_mode<synchronous>, transform_indices = @transform_2, window_bounds = array<i64: 1, 128>}, {pipeline_mode = #tpu.pipeline_mode<synchronous>, transform_indices = @transform_3, window_bounds = array<i64: 128, 128>}, {transform_indices = @transform_4, window_bounds = array<i64: 2000, 128>}]} {
    %get3A = arith.constant 0 : index
    %get3A_0 = arith.constant 0 : index
    %get3A_1 = vector.load %arg1[%get3A, %get3A_0] : memref<2000x128xf32, #tpu.memory_space<vmem>>, vector<2000x128xf32>
    %get3A_2 = arith.constant 0 : index
    %get3A_3 = arith.constant 0 : index
    %get3A_4 = vector.load %arg2[%get3A_2, %get3A_3] : memref<128x128xf32, #tpu.memory_space<vmem>>, vector<128x128xf32>
    %dot_general3A = arith.constant dense<0.000000e+00> : vector<2000x128xf32>
    %dot_general3A_5 = tpu.matmul %get3A_1, %get3A_4, %dot_general3A {dimension_numbers = #tpu.dot_dimension_numbers<[1], [0], [0], [1], [0, 0, 1, 1], [], []>, transpose_lhs_hint = false} : vector<2000x128xf32>, vector<128x128xf32>, vector<2000x128xf32> -> vector<2000x128xf32>
    %get3A_6 = arith.constant 0 : index
    %get3A_7 = arith.constant 0 : index
    %get3A_8 = vector.load %arg3[%get3A_6, %get3A_7] : memref<1x128xf32, #tpu.memory_space<vmem>>, vector<1x128xf32>
    %add3A = vector.broadcast %get3A_8 : vector<1x128xf32> to vector<2000x128xf32>
    %add3A_9 = arith.addf %dot_general3A_5, %add3A : vector<2000x128xf32>
    %get3A_10 = arith.constant 0 : index
    %get3A_11 = arith.constant 0 : index
    %get3A_12 = vector.load %arg4[%get3A_10, %get3A_11] : memref<128x128xf32, #tpu.memory_space<vmem>>, vector<128x128xf32>
    %dot_general3A_13 = arith.constant dense<0.000000e+00> : vector<2000x128xf32>
    %dot_general3A_14 = tpu.matmul %add3A_9, %get3A_12, %dot_general3A_13 {dimension_numbers = #tpu.dot_dimension_numbers<[1], [0], [0], [1], [0, 0, 1, 1], [], []>, transpose_lhs_hint = false} : vector<2000x128xf32>, vector<128x128xf32>, vector<2000x128xf32> -> vector<2000x128xf32>
    %swap3A = arith.constant 0 : index
    %swap3A_15 = arith.constant 0 : index
    %swap3A_16 = vector.load %arg5[%swap3A, %swap3A_15] : memref<2000x128xf32, #tpu.memory_space<vmem>>, vector<2000x128xf32>
    tpu.vector_store %arg5[%swap3A, %swap3A_15], %dot_general3A_14 {strides = array<i32>} : memref<2000x128xf32, #tpu.memory_space<vmem>>, vector<2000x128xf32>,
    return
  }
  func.func @transform_0(%arg0: i32) -> (i32, i32) {
    %c0_i32 = arith.constant 0 : i32
    %c0_i32_0 = arith.constant 0 : i32
    return %arg0, %c0_i32 : i32, i32
  }
  func.func @transform_1(%arg0: i32) -> (i32, i32) {
    %c0_i32 = arith.constant 0 : i32
    %c0_i32_0 = arith.constant 0 : i32
    %c0_i32_1 = arith.constant 0 : i32
    return %c0_i32, %c0_i32_0 : i32, i32
  }
  func.func @transform_2(%arg0: i32) -> (i32, i32) {
    %c0_i32 = arith.constant 0 : i32
    %c0_i32_0 = arith.constant 0 : i32
    %c0_i32_1 = arith.constant 0 : i32
    return %c0_i32, %c0_i32_0 : i32, i32
  }
  func.func @transform_3(%arg0: i32) -> (i32, i32) {
    %c0_i32 = arith.constant 0 : i32
    %c0_i32_0 = arith.constant 0 : i32
    %c0_i32_1 = arith.constant 0 : i32
    return %c0_i32, %c0_i32_0 : i32, i32
  }
  func.func @transform_4(%arg0: i32) -> (i32, i32) {
    %c0_i32 = arith.constant 0 : i32
    %c0_i32_0 = arith.constant 0 : i32
    return %arg0, %c0_i32 : i32, i32
  }
}

module attributes {stable_mosaic.version = 14 : i64} {
  func.func @_f_body(%arg0: i32, %arg1: memref<2x2000x128xf32, #tpu.memory_space<vmem>>, %arg2: memref<1x1xf32, #tpu.memory_space<smem>>, %arg3: memref<2000x128xf32, #tpu.memory_space<vmem>>) attributes {dimension_semantics = [#tpu.dimension_semantics<arbitrary>], iteration_bounds = array<i64: 5>, scalar_prefetch = 0 : i64, scratch_operands = 0 : i64, tpu.core_type = #tpu.core_type<tc>, window_params = [{transform_indices = @transform_0, window_bounds = array<i64: 2, 2000, 128>}, {transform_indices = @transform_1, window_bounds = array<i64: 1, 1>}, {transform_indices = @transform_2, window_bounds = array<i64: 2000, 128>}]} {
    %get3A = arith.constant 0 : index
    %get3A_0 = arith.constant 0 : index
    %get3A_1 = arith.constant 0 : index
    %get3A_2 = vector.load %arg1[%get3A, %get3A_0, %get3A_1] : memref<2x2000x128xf32, #tpu.memory_space<vmem>>, vector<1x2000x128xf32>
    %get3A_3 = vector.shape_cast %get3A_2 : vector<1x2000x128xf32> to vector<2000x128xf32>
    %get3A_4 = arith.constant 1 : index
    %get3A_5 = arith.constant 0 : index
    %get3A_6 = arith.constant 0 : index
    %get3A_7 = vector.load %arg1[%get3A_4, %get3A_5, %get3A_6] : memref<2x2000x128xf32, #tpu.memory_space<vmem>>, vector<1x2000x128xf32>
    %get3A_8 = vector.shape_cast %get3A_7 : vector<1x2000x128xf32> to vector<2000x128xf32>
    %add3A = arith.addf %get3A_3, %get3A_8 : vector<2000x128xf32>
    %get3A_9 = arith.constant 0 : index
    %get3A_10 = arith.constant 0 : index
    %get3A_11 = memref.load %arg2[%get3A_9, %get3A_10] : memref<1x1xf32, #tpu.memory_space<smem>>
    %max3A = arith.constant 0.000000e+00 : f32
    %max3A_12 = arith.maximumf %get3A_11, %max3A : f32
    %logistic3A = arith.negf %add3A : vector<2000x128xf32>
    %logistic3A_13 = math.exp %logistic3A : vector<2000x128xf32>
    %logistic3A_14 = arith.constant 1.000000e+00 : f32
    %logistic3A_15 = vector.broadcast %logistic3A_14 : f32 to vector<2000x128xf32>
    %logistic3A_16 = arith.addf %logistic3A_15, %logistic3A_13 : vector<2000x128xf32>
    %logistic3A_17 = arith.divf %logistic3A_15, %logistic3A_16 : vector<2000x128xf32>
    %mul3A = vector.broadcast %max3A_12 : f32 to vector<2000x128xf32>
    %mul3A_18 = arith.mulf %logistic3A_17, %mul3A : vector<2000x128xf32>
    %swap3A = arith.constant 0 : index
    %swap3A_19 = arith.constant 0 : index
    %swap3A_20 = vector.load %arg3[%swap3A, %swap3A_19] : memref<2000x128xf32, #tpu.memory_space<vmem>>, vector<2000x128xf32>
    tpu.vector_store %arg3[%swap3A, %swap3A_19], %mul3A_18 {strides = array<i32>} : memref<2000x128xf32, #tpu.memory_space<vmem>>, vector<2000x128xf32>,
    return
  }
  func.func @transform_0(%arg0: i32) -> (i32, i32, i32) {
    %c0_i32 = arith.constant 0 : i32
    %c0_i32_0 = arith.constant 0 : i32
    %c0_i32_1 = arith.constant 0 : i32
    return %c0_i32, %arg0, %c0_i32_0 : i32, i32, i32
  }
  func.func @transform_1(%arg0: i32) -> (i32, i32) {
    %c0_i32 = arith.constant 0 : i32
    %c0_i32_0 = arith.constant 0 : i32
    %c0_i32_1 = arith.constant 0 : i32
    return %c0_i32, %c0_i32_0 : i32, i32
  }
  func.func @transform_2(%arg0: i32) -> (i32, i32) {
    %c0_i32 = arith.constant 0 : i32
    %c0_i32_0 = arith.constant 0 : i32
    return %arg0, %c0_i32 : i32, i32
  }
}

</mosaic_0001>

<sc_bundles>
// kernel: kernel.6.cloned.1.call-start
scs
__scs_entry_jumppad:
0x0: {  	(pc) =	sbr.rel $0x88, $3  }
0x1: {  	(tag) =	ssettag $0x0;
	lr =	simm.s32 $0x1  }
0x2: {  	[smem:$0x3F97] =	sst lr;
	_ =	strace $0xD0000000  }
0x3: {  	_ = 	snop  }
0x4: {  	_ = 	snop  }
0x5: {  	_ = 	snop  }
0x6: {  	_ = 	snop  }
0x7: {  	_ = 	snop  }
__scs_overlays_trampoline_lowered:
0x8: {  	[smem:$0x3FA6] =	sst s0  }
0x9: {  	[smem:$0x3FA7] =	sst s1  }
0xa: {  	[smem:$0x3FA8] =	sst s2  }
0xb: {  	[smem:$0x3FA9] =	sst s3  }
0xc: {  	[smem:$0x3FAA] =	sst s4  }
0xd: {  	[smem:$0x3FAB] =	sst s5  }
0xe: {  	[smem:$0x3FAC] =	sst s6  }
0xf: {  	[smem:$0x3FAD] =	sst s7  }
0x10: {  	[smem:$0x3FAE] =	sst s8  }
0x11: {  	[smem:$0x3FAF] =	sst s9;
	s0 =	simm.s32 @!p0 $0x0  }
0x12: {  	s1 =	sld [smem:$0x3F95];
	s0 =	simm.s32 @p0 $0x1  }
0x13: {  	[smem:$0x3FB0] =	sst s0;
	s0 =	simm.s32 @!p1 $0x0  }
0x14: {  	s2 =	sld [smem:$0x3F94];
	s0 =	simm.s32 @p1 $0x1  }
0x15: {  	[smem:$0x3FB1] =	sst s0;
	s0 =	simm.s32 @!p2 $0x0  }
0x16: {  	s3 =	sld [smem:$0x3FDB];
	s0 =	simm.s32 @p2 $0x1  }
0x17: {  	s4 =	simm.s32 $0x1BF5;
	[smem:$0x3FB3] =	sst s0  }
0x18: {  	s0 =	sld [smem:$0x3F96];
	_ =	swait.ge [sflag:s4], $0x0  }
0x19: {  	s7 =	sld [smem:$0x3F97]  }
0x1a: {  	s8 =	sadd.s32 $0xFFFFE003, lr  }
0x1b: {  	s9 =	sadd.s32 $0xFFFFFEF7, lr;
	s5 =	simm.s32 $0xFFFFFFFF;
	p2 =	slt.u32 s8, $0xFFFFF086  }
0x1c: {  	p1 =	slt.u32 s9, $0xF7A;
	s5 =	simm.s32 @!p2 $0x0  }
0x1d: {  	s5 =	simm.s32 @p1 $0x1;
	p0 =	seq.s32 s7, s2  }
0x1e: {  	s7 =	smul.u32 @!p0 $0xF7A, s2;
	p2 =	seq.s32 @!p0 s5, $0x0  }
0x1f: {  	s9 =	smul.u32 $0xF7A, s1;
	s8 =	simm.s32 @!p0 $0x1BF5;
	p2 =	por !p2, p0  }
0x20: {  	[sflag:s8] =	ssyncset.s32 @!p0 $0xFFFFF086;
	s6 =	sadd.s32 @!p0 s3, s7;
	s7 =	simm.s32 @!p0 $0x108  }
0x21: {  	s3 =	sadd.s32 s3, s9;
	s6 =	sadd.s32 @!p0 $0x88, s6;
	s7 =	simm.s32 @p2 $0x1082  }
0x22: {  	[simem:s7], [sflag:s8] =	dma.local @!p0 [hbm:s6], $0xF7A  }
0x23: {  	s9 =	sor.u32 $0xD0000000, s2;
	s6 =	simm.s32 $0x108;
	_ =	swait.ge @!p0 [sflag:s8], $0x0  }
0x24: {  	s3 =	sadd.s32 $0x88, s3;
	s6 =	simm.s32 @!p1 $0x1082;
	[sflag:s4] =	ssyncset.s32 $0xFFFFF086  }
0x25: {  	[simem:s6], [sflag:s4] =	dma.local [hbm:s3], $0xF7A  }
0x26: {  	[smem:$0x3F97] =	sst s1;
	(tag) =	ssettag s2;
	_ =	strace s9  }
0x27: {  	s1 =	sld [smem:$0x3FA7]  }
0x28: {  	s2 =	sld [smem:$0x3FA8]  }
0x29: {  	s4 =	sld [smem:$0x3FAA]  }
0x2a: {  	p0 =	seq.s32 s5, $0x0;
	s5 =	sld [smem:$0x3FAB]  }
0x2b: {  	s6 =	sld [smem:$0x3FAC]  }
0x2c: {  	s7 =	sld [smem:$0x3FAD]  }
0x2d: {  	s3 =	simm.s32 $0x108;
	s8 =	sld [smem:$0x3FAE]  }
0x2e: {  	s3 =	simm.s32 @!p0 $0x1082;
	s9 =	sld [smem:$0x3FAF]  }
0x2f: {  	lr =	sadd.s32 s0, s3;
	s0 =	sld [smem:$0x3FA6]  }
0x30: {  	s3 =	sld [smem:$0x3FA9]  }
0x31: {  	[smem:$0x3FB2] =	sst s10  }
0x32: {  	s10 =	sld [smem:$0x3FB0];
	_ =	sdelay $0x3  }
0x33: {  	p0 =	seq.s32 s10, $0x1;
	s10 =	sld [smem:$0x3FB2];
	_ =	sdelay $0x3  }
0x34: {  	[smem:$0x3FB2] =	sst s10  }
0x35: {  	s10 =	sld [smem:$0x3FB1];
	_ =	sdelay $0x3  }
0x36: {  	p1 =	seq.s32 s10, $0x1;
	s10 =	sld [smem:$0x3FB2];
	_ =	sdelay $0x3  }
0x37: {  	[smem:$0x3FB2] =	sst s10  }
0x38: {  	s10 =	sld [smem:$0x3FB3]  }
0x39: {  	_ = 	snop;
	(pc) =	sbr.ind lr, $3  }
0x3a: {  	_ = 	snop  }
0x3b: {  	_ = 	snop  }
0x3c: {  	p2 =	seq.s32 s10, $0x1;
	s10 =	sld [smem:$0x3FB2]  }
0x3d: {  	_ =	shalt  }
0x3e: {  	_ =	shalt  }
0x3f: {  	_ =	shalt  }
0x40: {  	_ =	shalt  }
0x41: {  	_ =	shalt  }
0x42: {  	_ =	shalt  }
0x43: {  	_ =	shalt  }
0x44: {  	_ =	shalt  }
0x45: {  	_ =	shalt  }
0x46: {  	_ =	shalt  }
0x47: {  	_ =	shalt  }
0x48: {  	_ =	shalt  }
0x49: {  	_ =	shalt  }
0x4a: {  	_ =	shalt  }
0x4b: {  	_ =	shalt  }
0x4c: {  	_ =	shalt  }
0x4d: {  	_ =	shalt  }
0x4e: {  	_ =	shalt  }
0x4f: {  	_ =	shalt  }
0x50: {  	_ =	shalt  }
0x51: {  	_ =	shalt  }
0x52: {  	_ =	shalt  }
0x53: {  	_ =	shalt  }
0x54: {  	_ =	shalt  }
0x55: {  	_ =	shalt  }
0x56: {  	_ =	shalt  }
0x57: {  	_ =	shalt  }
0x58: {  	_ =	shalt  }
0x59: {  	_ =	shalt  }
0x5a: {  	_ =	shalt  }
0x5b: {  	_ =	shalt  }
0x5c: {  	_ =	shalt  }
0x5d: {  	_ =	shalt  }
0x5e: {  	_ =	shalt  }
0x5f: {  	_ =	shalt  }
0x60: {  	_ =	shalt  }
0x61: {  	_ =	shalt  }
0x62: {  	_ =	shalt  }
0x63: {  	_ =	shalt  }
0x64: {  	_ =	shalt  }
0x65: {  	_ =	shalt  }
0x66: {  	_ =	shalt  }
0x67: {  	_ =	shalt  }
0x68: {  	_ =	shalt  }
0x69: {  	_ =	shalt  }
0x6a: {  	_ =	shalt  }
0x6b: {  	_ =	shalt  }
0x6c: {  	_ =	shalt  }
0x6d: {  	_ =	shalt  }
0x6e: {  	_ =	shalt  }
0x6f: {  	_ =	shalt  }
0x70: {  	_ =	shalt  }
0x71: {  	_ =	shalt  }
0x72: {  	_ =	shalt  }
0x73: {  	_ =	shalt  }
0x74: {  	_ =	shalt  }
0x75: {  	_ =	shalt  }
0x76: {  	_ =	shalt  }
0x77: {  	_ =	shalt  }
0x78: {  	_ =	shalt  }
0x79: {  	_ =	shalt  }
0x7a: {  	_ =	shalt  }
0x7b: {  	_ =	shalt  }
0x7c: {  	_ =	shalt  }
0x7d: {  	_ =	shalt  }
0x7e: {  	_ =	shalt  }
0x7f: {  	_ =	shalt  }
0x80: {  	_ =	shalt  }
0x81: {  	_ =	shalt  }
0x82: {  	_ =	shalt  }
0x83: {  	_ =	shalt  }
0x84: {  	_ =	shalt  }
0x85: {  	_ =	shalt  }
0x86: {  	_ =	shalt  }
0x87: {  	_ =	shalt  }
.Lfunc_end0:
.L_simem_size_0:
called_computation_lowered:
.L_overlay_start_0:
0x88: {  	s2 =	sld [smem:$0x3FD9]  }
0x89: {  	s3 =	sld [smem:$0x3FFE];
	_ =	sdelay $0x1  }
0x8a: {  	s1 =	srdreg.scid  }
0x8b: {  	s0 =	sand.u32 $0x1, s1  }
0x8c: {  	s17 =	sshll.u32 s0, $0xA;
	s2 =	sadd.s32 s3, s2  }
0x8d: {  	s2 =	sadd.s32 s2, s17  }
0x8e: {  	[smem:$0x3FBE] =	sst s2  }
0x8f: {  	_ = 	snop  }
0x90: {  	s2 =	sld [smem:$0x3FD0];
	(tm) =	ssettm $0x1  }
0x91: {  	s18 =	sld [smem:$0x3FFB];
	_ =	sdelay $0x3  }
0x92: {  	_ =	strace s18  }
0x93: {  	s3 =	sld [smem:$0x3FFC];
	_ =	sdelay $0x3  }
0x94: {  	_ =	strace s3  }
0x95: {  	s3 =	sld [smem:$0x3FFD];
	_ =	sdelay $0x3  }
0x96: {  	_ =	strace s3  }
0x97: {  	_ =	strace $0x8FFFFFFF  }
0x98: {  	s19 =	sld [smem:$0x3FDB];
	_ =	sdelay $0x1  }
0x99: {  	s4 =	simm.s32 $_scs_section_size  }
0x9a: {  	s5 =	simm.s32 $_size__tile_overlayer_lowered;
	s6 =	simm.s32 $_tile_overlayer_lowered  }
0x9b: {  	s22 =	simm.s32 $0x1BFF;
	s21 =	sshll.u32 s6, $0x1;
	s3 =	sadd.s32 s4, s19  }
0x9c: {  	s7 =	simm.s32 $0x0;
	s20 =	sshll.u32 s5, $0x1;
	s5 =	sadd.s32 s21, s3  }
0x9d: {  	[timem:s7], [sflag:s22] =	dma.local [hbm:s5], s20  }
0x9e: {  	_ =	swait.ge [sflag:s22], s20  }
0x9f: {  	s4 =	ssub.s32 $0x0, s20;
	[sflag:s22] =	ssyncset.done $0x0  }
0xa0: {  	[sflag:s22] =	ssyncadd.s32 s4;
	_ =	sdelay $0x1  }
0xa1: {  	s23 =	simm.s32 $0x1B8B  }
0xa2: {  	_ =	swait.ge [sflag:s23], $0x1  }
0xa3: {  	[sflag:s23] =	ssyncset.done $0x0  }
0xa4: {  	s25 =	simm.s32 $0x1B8E;
	s24 =	sld [smem:$0x3FFE];
	[sflag:s23] =	ssyncadd.s32 $0xFFFFFFFF  }
0xa5: {  	s26 =	simm.s32 $execute0_lowered;
	[smem:$0x3FD2] =	sst s25  }
0xa6: {  	s5 =	sshll.u32 s26, $0x1;
	_ =	strace $0x80000046;
	[dreg:$0x1] =	wrdreg $0xFFFFFFFF  }
0xa7: {  	s28 =	simm.s32 $_size_execute0_lowered;
	s3 =	sadd.s32 s3, s5;
	[dreg:$0x0] =	wrdreg $0x0  }
0xa8: {  	s5 =	sshll.u32 s28, $0x1;
	[dreg:$0x2] =	wrdreg s3  }
0xa9: {  	[dreg:$0x3] =	wrdreg s5  }
0xaa: {  	[dreg:$0x4] =	wrdreg $0xC0  }
0xab: {  	_ =	task [dreg:s7], $0x5FFFF  }
0xac: {  	[dreg:$0x1] =	wrdreg $0xFFFFFFFF  }
0xad: {  	[dreg:$0x0] =	wrdreg $0x60  }
0xae: {  	[dreg:$0x2] =	wrdreg s2  }
0xaf: {  	[dreg:$0x3] =	wrdreg s24  }
0xb0: {  	[dreg:$0x4] =	wrdreg $0xC0000  }
0xb1: {  	[dreg:$0x5] =	wrdreg $0x9  }
0xb2: {  	_ =	task.clear_ibuf [dreg:s7], $0x6FFFF;
	_ =	strace $0x90000046  }
0xb3: {  	s29 =	simm.s32 $0x9;
	_ =	strace $0x80000048  }
0xb4: {  	_ =	swait.ge [sflag:s29], $0x1  }
0xb5: {  	[sflag:s29] =	ssyncadd.s32 $0xFFFFFFFF  }
0xb6: {  	_ =	strace $0x90000048  }
0xb7: {  	_ =	sfence  }
0xb8: {  	s30 =	sld [smem:$0x0];
	_ =	sdelay $0x2  }
0xb9: {  	s31 =	sshll.u32 s1, $0xD;
	s1 =	sshrl.u32 s1, $0x2  }
0xba: {  	s3 =	sand.u32 $0x4000, s31;
	s1 =	sadd.s32 s1, s30  }
0xbb: {  	s0 =	sor.u32 s3, s0;
	s1 =	sshll.u32 s1, $0x11  }
0xbc: {  	s0 =	sor.u32 s1, s0  }
0xbd: {  	s0 =	sadd.s32 $0x8F2B, s0  }
0xbe: {  	[sflag:s0] =	ssyncadd.remote.s32 $0x1  }
0xbf: {  	_ =	sfence.sel $0xFFFF  }
0xc0: {  	[dreg:$0x0] =	wrdreg $0xFFFFFFFF;
	(pc) =	sbr.abs _section_cstart, $3  }
0xc1: {  	[dreg:$0x1] =	wrdreg $0xFFFFFFFF  }
0xc2: {  	_ =	task.clear_ibuf [dreg:s7], $0x2FFFF;
	_ =	strace $0x9FFFFFFF  }
0xc3: {  	(tm) =	ssettm $0x7FFFFFFF  }
tec
execute0_lowered:
.L_overlay_start_1:
0x0: {  	(tag) =	ssettag $0x1  }
0x1: {  	s1 =	rddreg [dreg:$0x0]  }
0x2: {  	s0 =	rddreg [dreg:$0x1]  }
0x3: {  	s3 =	rddreg [dreg:$0x2];
	s8 =	stileid.u32  }
0x4: {  	s2 =	srdreg.scid;
	s5 =	smul.u32 $0x280, s8  }
0x5: {  	s4 =	simm.s32 $0x0;
	s7 =	sshll.u32 s8, $0x1;
	s8 =	smul.u32 $0x50000, s8  }
0x6: {  	s2 =	sand.u32 $0x1, s2;
	[smem:$0x7FF] =	sst s4  }
0x7: {  	s6 =	smul.u32 $0x2800, s2;
	_ =	strace $0x80000047;
	s11 =	sshrl.u32 s8, $0x2  }
0x8: {  	s9 =	sor.u32 s2, s7;
	s7 =	sadd.s32 $0x1800, s0;
	s22 =	sadd.s32 s11, s3  }
0x9: {  	s2 =	ssub.s32 $0x2, s2;
	s6 =	sadd.s32 s5, s6;
	s26 =	sadd.s32 $0x11800, s22  }
0xa: {  	s5 =	sadd.s32 $0x29800, s0;
	s15 =	sadd.s32 $0x7800, s22;
	[dreg:$0x11] =	wrdreg s26  }
0xb: {  	s11 =	sshrl.u32 s2, $0x1;
	s23 =	sadd.s32 $0xA000, s22;
	[dreg:$0x4] =	wrdreg s15  }
0xc: {  	s10 =	sshll.u32 s6, $0x4;
	s24 =	sadd.s32 $0xC800, s22;
	[dreg:$0x5] =	wrdreg s23  }
0xd: {  	s25 =	sadd.s32 $0xF000, s22;
	s2 =	ssub.s32 s2, s11;
	[dreg:$0x6] =	wrdreg s24  }
0xe: {  	s0 =	sadd.s32 s10, s0;
	s2 =	smax.u32 s2, $0x1;
	[dreg:$0x7] =	wrdreg s25  }
0xf: {  	s28 =	simm.s32 $0x2000;
	s12 =	sadd.s32 $0x50B800, s0;
	[dreg:$0xe] =	wrdreg s2  }
0x10: {  	s29 =	simm.s32 $0x3;
	s16 =	sadd.s32 $0x50BD00, s0;
	[dreg:$0x8] =	wrdreg s12  }
0x11: {  	s30 =	simm.s32 $0x1000;
	s17 =	sadd.s32 $0x50C200, s0;
	[dreg:$0x9] =	wrdreg s16  }
0x12: {  	s31 =	simm.s32 $0x50;
	s18 =	sadd.s32 $0x50C700, s0;
	[dreg:$0xa] =	wrdreg s17  }
0x13: {  	s6 =	smul.u32 $0x5, s9;
	s19 =	sadd.s32 $0x50CC00, s0;
	[dreg:$0xb] =	wrdreg s18  }
0x14: {  	s9 =	smul.u32 $0x2710, s9;
	s20 =	sadd.s32 $0x50D100, s0;
	[dreg:$0xc] =	wrdreg s19  }
0x15: {  	s13 =	sadd.s32 $0x2800, s22;
	s21 =	sadd.s32 $0x50D600, s0;
	[dreg:$0xd] =	wrdreg s20  }
0x16: {  	s14 =	sadd.s32 $0x5000, s22;
	s0 =	sadd.s32 $0x50DB00, s0;
	[dreg:$0xf] =	wrdreg s21  }
0x17: {  	s8 =	sadd.s32 $0xA0, s6;
	s2 =	simm.s32 $0x4800;
	[dreg:$0x10] =	wrdreg s0  }
0x18: {  	s0 =	simm.s32 $0x7000;
	s17 =	simm.s32 $0x9800;
	s18 =	simm.s32 $0x1  }
0x19: {  	v0 =	vimm.f32 $0.0e+00;
	s19 =	simm.s32 $0x2;
	s20 =	simm.s32 $0x1C00;
	s21 =	simm.s32 $0x0  }
.LBB2_1:
0x1a: {  	s11 =	simm.s32 $0x0;
	s12 =	simm.s32 $0x200  }
.LBB2_2:
0x1b: {  	p0 =	sne.s32 s12, $0x9E00;
	[tilespmem:s11+$0x2070] =	vst v0  }
0x1c: {  	[tilespmem:s11+$0x2000] =	vst v0  }
0x1d: {  	[tilespmem:s11+$0x2010] =	vst v0  }
.Ltmp0:
0x1e: {  	[tilespmem:s11+$0x2020] =	vst v0;
	(pc) =	sbr.rel @p0 .LBB2_2-.Ltmp0, $4  }
0x1f: {  	[tilespmem:s11+$0x2030] =	vst v0  }
0x20: {  	[tilespmem:s11+$0x2040] =	vst v0  }
0x21: {  	[tilespmem:s11+$0x2050] =	vst v0  }
0x22: {  	[tilespmem:s11+$0x2060] =	vst v0;
	s11 =	sshra.s32 s12, $0x2;
	s12 =	sadd.s32 $0x200, s12  }
0x23: {  	[tilespmem:s11+$0x2070] =	vst v0  }
0x24: {  	[tilespmem:s11+$0x2000] =	vst v0  }
0x25: {  	[tilespmem:s11+$0x2010] =	vst v0  }
0x26: {  	[tilespmem:s11+$0x2020] =	vst v0  }
0x27: {  	[tilespmem:s11+$0x2030] =	vst v0  }
0x28: {  	[tilespmem:s11+$0x2040] =	vst v0  }
0x29: {  	[tilespmem:s11+$0x2050] =	vst v0  }
0x2a: {  	[tilespmem:s11+$0x2060] =	vst v0  }
0x2b: {  	[spmem:s22] =	stream.linear.scatter [tilespmem:s28], [sflag:$0x3], $0x2800, $0x38;
	v63 =	vld [tilespmem:$0x0]  }
0x2c: {  	_ =	swait.ge [sflag:s29], $0x2800  }
0x2d: {  	[sflag:s29] =	ssyncset.done $0x0  }
0x2e: {  	[sflag:s29] =	ssyncadd.s32 $0xFFFFD800  }
0x2f: {  	[spmem:s13] =	stream.linear.scatter [tilespmem:s28], [sflag:$0x3], $0x2800, $0x38;
	v63 =	vld [tilespmem:$0x0]  }
0x30: {  	_ =	swait.ge [sflag:s29], $0x2800  }
0x31: {  	[sflag:s29] =	ssyncset.done $0x0  }
0x32: {  	[sflag:s29] =	ssyncadd.s32 $0xFFFFD800  }
0x33: {  	[spmem:s14] =	stream.linear.scatter [tilespmem:s28], [sflag:$0x3], $0x2800, $0x38;
	v63 =	vld [tilespmem:$0x0]  }
0x34: {  	_ =	swait.ge [sflag:s29], $0x2800  }
0x35: {  	[sflag:s29] =	ssyncset.done $0x0  }
0x36: {  	[sflag:s29] =	ssyncadd.s32 $0xFFFFD800  }
0x37: {  	[spmem:s15] =	stream.linear.scatter [tilespmem:s28], [sflag:$0x3], $0x2800, $0x38;
	v63 =	vld [tilespmem:$0x0]  }
0x38: {  	_ =	swait.ge [sflag:s29], $0x2800  }
0x39: {  	[sflag:s29] =	ssyncset.done $0x0  }
0x3a: {  	[sflag:s29] =	ssyncadd.s32 $0xFFFFD800  }
0x3b: {  	[spmem:s23] =	stream.linear.scatter [tilespmem:s28], [sflag:$0x3], $0x2800, $0x38;
	v63 =	vld [tilespmem:$0x0]  }
0x3c: {  	_ =	swait.ge [sflag:s29], $0x2800  }
0x3d: {  	[sflag:s29] =	ssyncset.done $0x0  }
0x3e: {  	[sflag:s29] =	ssyncadd.s32 $0xFFFFD800  }
0x3f: {  	[spmem:s24] =	stream.linear.scatter [tilespmem:s28], [sflag:$0x3], $0x2800, $0x38;
	v63 =	vld [tilespmem:$0x0]  }
0x40: {  	_ =	swait.ge [sflag:s29], $0x2800  }
0x41: {  	[sflag:s29] =	ssyncset.done $0x0  }
0x42: {  	[sflag:s29] =	ssyncadd.s32 $0xFFFFD800  }
0x43: {  	[spmem:s25] =	stream.linear.scatter [tilespmem:s28], [sflag:$0x3], $0x2800, $0x38;
	v63 =	vld [tilespmem:$0x0]  }
0x44: {  	_ =	swait.ge [sflag:s29], $0x2800  }
0x45: {  	[sflag:s29] =	ssyncset.done $0x0  }
0x46: {  	s25 =	rddreg [dreg:$0x11];
	[sflag:s29] =	ssyncadd.s32 $0xFFFFD800  }
0x47: {  	[spmem:s25] =	stream.linear.scatter [tilespmem:s28], [sflag:$0x3], $0x2800, $0x38;
	v63 =	vld [tilespmem:$0x0]  }
0x48: {  	_ =	swait.ge [sflag:s29], $0x2800  }
0x49: {  	s10 =	smov.u32 s22;
	[sflag:s29] =	ssyncset.done $0x0  }
0x4a: {  	s16 =	smov.u32 s13;
	s26 =	smov.u32 s14;
	[sflag:s29] =	ssyncadd.s32 $0xFFFFD800  }
0x4b: {  	s22 =	simm.s32 $0x0;
	s23 =	simm.s32 $0x0;
	[bflag:$0x0] =	sbarrier.arrive $0xFFFF  }
.LBB2_4:
0x4c: {  	s11 =	sadd.s32 s6, s23  }
0x4d: {  	s11 =	sshll.u32 s11, $0x9  }
0x4e: {  	s24 =	sadd.s32 s23, s8;
	s11 =	sadd.s32 s7, s11  }
0x4f: {  	[tilespmem:s22], [sflag:$0x3] =	stream.linear.gather [hbm4b:s11+s22], $0xC80, $0x38;
	v63 =	vld [tilespmem:$0x0]  }
0x50: {  	s11 =	sshll.u32 s24, $0x9;
	_ =	swait.ge [sflag:s29], $0xC80  }
0x51: {  	s11 =	sand.u32 $0x1FFFFE00, s11;
	[sflag:s29] =	ssyncset.done $0x0  }
0x52: {  	s25 =	smul.u32 $0x7D0, s23;
	s11 =	sadd.s32 s7, s11;
	[sflag:s29] =	ssyncadd.s32 $0xFFFFF380  }
0x53: {  	[tilespmem:s30], [sflag:$0x3] =	stream.linear.gather [hbm4b:s11+s22], $0xC80, $0x38;
	v63 =	vld [tilespmem:$0x0]  }
0x54: {  	_ =	swait.ge [sflag:s29], $0xC80  }
0x55: {  	s24 =	sadd.s32 s9, s25;
	[sflag:s29] =	ssyncset.done $0x0  }
0x56: {  	s11 =	sshll.u32 s24, $0x4;
	[sflag:s29] =	ssyncadd.s32 $0xFFFFF380  }
0x57: {  	[tilespmem:s28], [sflag:$0x1] =	stream.indirect.gather [hbm4b:s1+s31], $0x80, s22, s31, $0xb8;
	v63 =	vld [tilespmem:$0x0]  }
0x58: {  	s25 =	simm.s32 $0x0;
	s11 =	sadd.s32 s5, s11  }
0x59: {  	[tilespmem:s0], [sflag:$0x1] =	stream.linear.gather [hbm4b:s11+s22], $0x2800, $0x38;
	v63 =	vld [tilespmem:$0x0]  }
.LBB2_5:
0x5a: {  	s12 =	sshllo.u32 s25, $0x1  }
0x5b: {  	s11 =	sshll.u32 s12, $0x7;
	s12 =	smul.u32 $0x50, s12  }
0x5c: {  	[tilespmem:s2], [sflag:$0x2] =	stream.indirect.gather [hbm4b:s1+s31], $0x80, s11, s31, $0xb8;
	v63 =	vld [tilespmem:$0x0]  }
0x5d: {  	s12 =	sadd.s32 s24, s12  }
0x5e: {  	s12 =	sshll.u32 s12, $0x4  }
0x5f: {  	s13 =	simm.s32 $0x0;
	s12 =	sadd.s32 s5, s12  }
0x60: {  	[tilespmem:s17], [sflag:$0x2] =	stream.linear.gather [hbm4b:s12+s13], $0x2800, $0x38;
	v63 =	vld [tilespmem:$0x0]  }
0x61: {  	_ =	swait.ge [sflag:s18], $0x2800  }
0x62: {  	[sflag:s18] =	ssyncset.done $0x0  }
0x63: {  	[sflag:s18] =	ssyncadd.s32 $0xFFFFD800  }
0x64: {  	_ =	swait.ge [sflag:s18], $0x2800  }
0x65: {  	[sflag:s18] =	ssyncset.done $0x0  }
0x66: {  	s12 =	simm.s32 $0x0;
	[sflag:s18] =	ssyncadd.s32 $0xFFFFD800  }
0x67: {  	v1 =	vld [tilespmem:s12+$0x2070]  }
0x68: {  	v2 =	vld [tilespmem:s12+$0x7070]  }
0x69: {  	v3 =	vld [tilespmem:s12+$0x2000]  }
0x6a: {  	v4 =	vld [tilespmem:s12+$0x7000]  }
0x6b: {  	v5 =	vld [tilespmem:s12+$0x2010]  }
0x6c: {  	v6 =	vld [tilespmem:s12+$0x7010]  }
0x6d: {  	v7 =	vld [tilespmem:s12+$0x2020];
	v1 =	vadd.f32 v2, v1  }
0x6e: {  	v2 =	vld [tilespmem:s12+$0x7020]  }
0x6f: {  	v8 =	vld [tilespmem:s12+$0x2030];
	v3 =	vadd.f32 v4, v3;
	v4 =	vmul.f32 $9.999999770e-03, v1  }
0x70: {  	v9 =	vld [tilespmem:s12+$0x7030]  }
0x71: {  	v10 =	vld [tilespmem:s12+$0x2040];
	v11 =	vmul.f32 $9.999999770e-03, v3;
	v1 =	vmax.f32 v1, v4;
	v4 =	vadd.f32 v6, v5  }
0x72: {  	v12 =	vld [tilespmem:s12+$0x7040]  }
0x73: {  	v3 =	vmax.f32 v3, v11;
	[tilespmem:s12+$0x7070] =	vst v1;
	v1 =	vld [tilespmem:s12+$0x2050];
	v6 =	vadd.f32 v2, v7;
	v5 =	vmul.f32 $9.999999770e-03, v4  }
0x74: {  	[tilespmem:s12+$0x7000] =	vst v3;
	v3 =	vld [tilespmem:s12+$0x7050]  }
0x75: {  	v2 =	vld [tilespmem:s12+$0x2060];
	v7 =	vmul.f32 $9.999999770e-03, v6;
	v5 =	vmax.f32 v4, v5;
	v4 =	vadd.f32 v9, v8  }
0x76: {  	s14 =	simm.s32 $0x80;
	[tilespmem:s12+$0x7010] =	vst v5;
	v5 =	vld [tilespmem:s12+$0x7060]  }
0x77: {  	s15 =	simm.s32 $0x400;
	s13 =	sshll.u32 s25, $0x1;
	v9 =	vld [tilespmem:s14+$0x2070];
	v8 =	vmax.f32 v6, v7;
	v6 =	vadd.f32 v12, v10;
	v7 =	vmul.f32 $9.999999770e-03, v4  }
.LBB2_6:
0x78: {  	p0 =	sne.s32 s15, $0x9E00;
	v10 =	vld [tilespmem:s14+$0x7070];
	[tilespmem:s12+$0x7020] =	vst v8  }
0x79: {  	v8 =	vld [tilespmem:s14+$0x2000];
	v4 =	vmax.f32 v4, v7;
	v7 =	vmul.f32 $9.999999770e-03, v6;
	v1 =	vadd.f32 v3, v1  }
0x7a: {  	v3 =	vld [tilespmem:s14+$0x7000];
	[tilespmem:s12+$0x7030] =	vst v4  }
0x7b: {  	v4 =	vld [tilespmem:s14+$0x2010];
	v6 =	vmax.f32 v6, v7;
	v7 =	vmul.f32 $9.999999770e-03, v1;
	v2 =	vadd.f32 v5, v2  }
0x7c: {  	v5 =	vld [tilespmem:s14+$0x7010];
	[tilespmem:s12+$0x7040] =	vst v6  }
0x7d: {  	v6 =	vld [tilespmem:s14+$0x2020];
	v9 =	vadd.f32 v10, v9;
	v1 =	vmax.f32 v1, v7;
	v7 =	vmul.f32 $9.999999770e-03, v2  }
0x7e: {  	v10 =	vld [tilespmem:s14+$0x7020];
	[tilespmem:s12+$0x7050] =	vst v1  }
0x7f: {  	v1 =	vadd.f32 v3, v8;
	v8 =	vld [tilespmem:s14+$0x2030];
	v3 =	vmul.f32 $9.999999770e-03, v9;
	v2 =	vmax.f32 v2, v7  }
0x80: {  	v7 =	vld [tilespmem:s14+$0x7030];
	[tilespmem:s12+$0x7060] =	vst v2;
	s12 =	smov.u32 s14  }
0x81: {  	v2 =	vmul.f32 $9.999999770e-03, v1;
	v4 =	vadd.f32 v5, v4;
	v11 =	vld [tilespmem:s12+$0x2040];
	v3 =	vmax.f32 v9, v3  }
0x82: {  	v12 =	vld [tilespmem:s12+$0x7040];
	[tilespmem:s12+$0x7070] =	vst v3  }
.Ltmp1:
0x83: {  	v2 =	vmax.f32 v1, v2;
	v5 =	vmul.f32 $9.999999770e-03, v4;
	v6 =	vadd.f32 v10, v6;
	v1 =	vld [tilespmem:s12+$0x2050];
	(pc) =	sbr.rel @p0 .LBB2_6-.Ltmp1, $4  }
0x84: {  	[tilespmem:s12+$0x7000] =	vst v2;
	v3 =	vld [tilespmem:s12+$0x7050]  }
0x85: {  	v5 =	vmax.f32 v4, v5;
	v10 =	vmul.f32 $9.999999770e-03, v6;
	v4 =	vadd.f32 v7, v8;
	v2 =	vld [tilespmem:s12+$0x2060]  }
0x86: {  	s14 =	sshra.s32 s15, $0x2;
	[tilespmem:s12+$0x7010] =	vst v5;
	v5 =	vld [tilespmem:s12+$0x7060]  }
0x87: {  	s15 =	sadd.s32 $0x200, s15;
	v9 =	vld [tilespmem:s14+$0x2070];
	v8 =	vmax.f32 v6, v10;
	v7 =	vmul.f32 $9.999999770e-03, v4;
	v6 =	vadd.f32 v12, v11  }
0x88: {  	v10 =	vld [tilespmem:s14+$0x7070]  }
0x89: {  	v11 =	vld [tilespmem:s14+$0x2000]  }
0x8a: {  	v12 =	vld [tilespmem:s14+$0x7000]  }
0x8b: {  	v13 =	vld [tilespmem:s14+$0x2010]  }
0x8c: {  	v14 =	vld [tilespmem:s14+$0x7010]  }
0x8d: {  	v15 =	vld [tilespmem:s14+$0x2020]  }
0x8e: {  	v16 =	vld [tilespmem:s14+$0x2030]  }
0x8f: {  	v17 =	vld [tilespmem:s14+$0x7030];
	v9 =	vadd.f32 v10, v9  }
0x90: {  	v18 =	vld [tilespmem:s14+$0x2040];
	v11 =	vadd.f32 v12, v11  }
0x91: {  	v60 =	vld [tilespmem:s14+$0x7040];
	v59 =	vmul.f32 $9.999999770e-03, v9  }
0x92: {  	v10 =	vld [tilespmem:s14+$0x7020];
	v19 =	vmul.f32 $9.999999770e-03, v11  }
0x93: {  	v61 =	vld [tilespmem:s14+$0x2060];
	v9 =	vmax.f32 v9, v59  }
0x94: {  	v1 =	vadd.f32 v3, v1;
	[tilespmem:s14+$0x7070] =	vst v9;
	v9 =	vmax.f32 v11, v19;
	v11 =	vld [tilespmem:s14+$0x2050]  }
0x95: {  	v3 =	vmul.f32 $9.999999770e-03, v6;
	v2 =	vadd.f32 v5, v2;
	[tilespmem:s14+$0x7000] =	vst v9;
	v9 =	vld [tilespmem:s14+$0x7050]  }
0x96: {  	[tilespmem:s12+$0x7020] =	vst v8;
	v4 =	vmax.f32 v4, v7;
	v5 =	vld [tilespmem:s14+$0x7060];
	v8 =	vmul.f32 $9.999999770e-03, v1;
	v13 =	vadd.f32 v14, v13  }
0x97: {  	[tilespmem:s12+$0x7030] =	vst v4;
	v3 =	vmax.f32 v6, v3;
	v6 =	vmul.f32 $9.999999770e-03, v2;
	v7 =	vadd.f32 v10, v15  }
0x98: {  	[tilespmem:s12+$0x7040] =	vst v3;
	v4 =	vadd.f32 v17, v16;
	v1 =	vmax.f32 v1, v8;
	v14 =	vmul.f32 $9.999999770e-03, v13  }
0x99: {  	v3 =	vadd.f32 v60, v18;
	[tilespmem:s12+$0x7050] =	vst v1;
	v1 =	vmax.f32 v2, v6;
	v8 =	vmul.f32 $9.999999770e-03, v7  }
0x9a: {  	v2 =	vmul.f32 $9.999999770e-03, v4;
	[tilespmem:s12+$0x7060] =	vst v1;
	v13 =	vmax.f32 v13, v14;
	v6 =	vadd.f32 v9, v11  }
0x9b: {  	v5 =	vadd.f32 v5, v61;
	[tilespmem:s14+$0x7010] =	vst v13;
	v1 =	vmax.f32 v7, v8;
	v7 =	vmul.f32 $9.999999770e-03, v3  }
0x9c: {  	[tilespmem:s14+$0x7020] =	vst v1;
	v1 =	vmax.f32 v4, v2;
	v2 =	vmul.f32 $9.999999770e-03, v6  }
0x9d: {  	[tilespmem:s14+$0x7030] =	vst v1;
	v1 =	vmax.f32 v3, v7;
	v3 =	vmul.f32 $9.999999770e-03, v5  }
0x9e: {  	s15 =	sshll.u32 s25, $0x8;
	[tilespmem:s14+$0x7040] =	vst v1;
	v1 =	vmax.f32 v6, v2  }
0x9f: {  	s12 =	sand.u32 $0x3FFFFF00, s15;
	[tilespmem:s14+$0x7050] =	vst v1;
	v1 =	vmax.f32 v5, v3  }
0xa0: {  	s12 =	sadd.s32 $0x1000, s12;
	[tilespmem:s14+$0x7060] =	vst v1;
	s14 =	sadd.s32 $0x2, s13  }
0xa1: {  	[spmem:s3] =	stream.indirect.scatter.add.f32 [tilespmem:s0], [sflag:$0x3], $0x80, s12, s31, $0xb8;
	v63 =	vld [tilespmem:$0x0]  }
0xa2: {  	s12 =	smul.u32 $0x50, s14  }
0xa3: {  	_ =	swait.ge [sflag:s29], $0x2800  }
0xa4: {  	s13 =	sshll.u32 s14, $0x7;
	[sflag:s29] =	ssyncset.done $0x0;
	s12 =	sadd.s32 s24, s12  }
0xa5: {  	s13 =	sand.u32 $0x3FFFFF80, s13;
	[sflag:s29] =	ssyncadd.s32 $0xFFFFD800;
	s12 =	sshll.u32 s12, $0x4  }
0xa6: {  	[tilespmem:s28], [sflag:$0x1] =	stream.indirect.gather [hbm4b:s1+s31], $0x80, s13, s31, $0xb8;
	v63 =	vld [tilespmem:$0x0]  }
0xa7: {  	s15 =	simm.s32 $0x0;
	s12 =	sadd.s32 s5, s12  }
0xa8: {  	[tilespmem:s0], [sflag:$0x1] =	stream.linear.gather [hbm4b:s12+s15], $0x2800, $0x38;
	v63 =	vld [tilespmem:$0x0]  }
0xa9: {  	_ =	swait.ge [sflag:s19], $0x2800  }
0xaa: {  	[sflag:s19] =	ssyncset.done $0x0  }
0xab: {  	[sflag:s19] =	ssyncadd.s32 $0xFFFFD800  }
0xac: {  	_ =	swait.ge [sflag:s19], $0x2800  }
0xad: {  	[sflag:s19] =	ssyncset.done $0x0  }
0xae: {  	s12 =	simm.s32 $0x0;
	[sflag:s19] =	ssyncadd.s32 $0xFFFFD800  }
0xaf: {  	v1 =	vld [tilespmem:s12+$0x4870]  }
0xb0: {  	v2 =	vld [tilespmem:s12+$0x9870]  }
0xb1: {  	v3 =	vld [tilespmem:s12+$0x4800]  }
0xb2: {  	v4 =	vld [tilespmem:s12+$0x9800]  }
0xb3: {  	v5 =	vld [tilespmem:s12+$0x4810]  }
0xb4: {  	v6 =	vld [tilespmem:s12+$0x9810]  }
0xb5: {  	v7 =	vld [tilespmem:s12+$0x4820];
	v1 =	vadd.f32 v2, v1  }
0xb6: {  	v2 =	vld [tilespmem:s12+$0x9820]  }
0xb7: {  	v8 =	vld [tilespmem:s12+$0x4830];
	v3 =	vadd.f32 v4, v3;
	v4 =	vmul.f32 $9.999999770e-03, v1  }
0xb8: {  	v9 =	vld [tilespmem:s12+$0x9830]  }
0xb9: {  	v10 =	vld [tilespmem:s12+$0x4840];
	v11 =	vmul.f32 $9.999999770e-03, v3;
	v1 =	vmax.f32 v1, v4;
	v4 =	vadd.f32 v6, v5  }
0xba: {  	v62 =	vld [tilespmem:s12+$0x9840]  }
0xbb: {  	v3 =	vmax.f32 v3, v11;
	[tilespmem:s12+$0x9870] =	vst v1;
	v1 =	vld [tilespmem:s12+$0x4850];
	v6 =	vadd.f32 v2, v7;
	v5 =	vmul.f32 $9.999999770e-03, v4  }
0xbc: {  	[tilespmem:s12+$0x9800] =	vst v3;
	v3 =	vld [tilespmem:s12+$0x9850]  }
0xbd: {  	v2 =	vld [tilespmem:s12+$0x4860];
	v7 =	vmul.f32 $9.999999770e-03, v6;
	v5 =	vmax.f32 v4, v5;
	v4 =	vadd.f32 v9, v8  }
0xbe: {  	s13 =	simm.s32 $0x80;
	[tilespmem:s12+$0x9810] =	vst v5;
	v5 =	vld [tilespmem:s12+$0x9860]  }
0xbf: {  	s14 =	simm.s32 $0x400;
	v9 =	vld [tilespmem:s13+$0x4870];
	v8 =	vmax.f32 v6, v7;
	v6 =	vadd.f32 v62, v10;
	v7 =	vmul.f32 $9.999999770e-03, v4  }
.LBB2_8:
0xc0: {  	p0 =	sne.s32 s14, $0x9E00;
	v10 =	vld [tilespmem:s13+$0x9870];
	[tilespmem:s12+$0x9820] =	vst v8  }
0xc1: {  	v8 =	vld [tilespmem:s13+$0x4800];
	v4 =	vmax.f32 v4, v7;
	v7 =	vmul.f32 $9.999999770e-03, v6;
	v1 =	vadd.f32 v3, v1  }
0xc2: {  	v3 =	vld [tilespmem:s13+$0x9800];
	[tilespmem:s12+$0x9830] =	vst v4  }
0xc3: {  	v4 =	vld [tilespmem:s13+$0x4810];
	v6 =	vmax.f32 v6, v7;
	v7 =	vmul.f32 $9.999999770e-03, v1;
	v2 =	vadd.f32 v5, v2  }
0xc4: {  	v5 =	vld [tilespmem:s13+$0x9810];
	[tilespmem:s12+$0x9840] =	vst v6  }
0xc5: {  	v6 =	vld [tilespmem:s13+$0x4820];
	v9 =	vadd.f32 v10, v9;
	v1 =	vmax.f32 v1, v7;
	v7 =	vmul.f32 $9.999999770e-03, v2  }
0xc6: {  	v10 =	vld [tilespmem:s13+$0x9820];
	[tilespmem:s12+$0x9850] =	vst v1  }
0xc7: {  	v1 =	vadd.f32 v3, v8;
	v8 =	vld [tilespmem:s13+$0x4830];
	v3 =	vmul.f32 $9.999999770e-03, v9;
	v2 =	vmax.f32 v2, v7  }
0xc8: {  	v7 =	vld [tilespmem:s13+$0x9830];
	[tilespmem:s12+$0x9860] =	vst v2;
	s12 =	smov.u32 s13  }
0xc9: {  	v2 =	vmul.f32 $9.999999770e-03, v1;
	v4 =	vadd.f32 v5, v4;
	v11 =	vld [tilespmem:s12+$0x4840];
	v3 =	vmax.f32 v9, v3  }
0xca: {  	v12 =	vld [tilespmem:s12+$0x9840];
	[tilespmem:s12+$0x9870] =	vst v3  }
.Ltmp2:
0xcb: {  	v2 =	vmax.f32 v1, v2;
	v5 =	vmul.f32 $9.999999770e-03, v4;
	v6 =	vadd.f32 v10, v6;
	v1 =	vld [tilespmem:s12+$0x4850];
	(pc) =	sbr.rel @p0 .LBB2_8-.Ltmp2, $4  }
0xcc: {  	[tilespmem:s12+$0x9800] =	vst v2;
	v3 =	vld [tilespmem:s12+$0x9850]  }
0xcd: {  	v5 =	vmax.f32 v4, v5;
	v10 =	vmul.f32 $9.999999770e-03, v6;
	v4 =	vadd.f32 v7, v8;
	v2 =	vld [tilespmem:s12+$0x4860]  }
0xce: {  	s13 =	sshra.s32 s14, $0x2;
	[tilespmem:s12+$0x9810] =	vst v5;
	v5 =	vld [tilespmem:s12+$0x9860]  }
0xcf: {  	s14 =	sadd.s32 $0x200, s14;
	v9 =	vld [tilespmem:s13+$0x4870];
	v8 =	vmax.f32 v6, v10;
	v7 =	vmul.f32 $9.999999770e-03, v4;
	v6 =	vadd.f32 v12, v11  }
0xd0: {  	v10 =	vld [tilespmem:s13+$0x9870]  }
0xd1: {  	v11 =	vld [tilespmem:s13+$0x4800]  }
0xd2: {  	v12 =	vld [tilespmem:s13+$0x9800]  }
0xd3: {  	v13 =	vld [tilespmem:s13+$0x4810]  }
0xd4: {  	v14 =	vld [tilespmem:s13+$0x9810]  }
0xd5: {  	v15 =	vld [tilespmem:s13+$0x4820]  }
0xd6: {  	v48 =	vld [tilespmem:s13+$0x9820]  }
0xd7: {  	v16 =	vld [tilespmem:s13+$0x4830]  }
0xd8: {  	v17 =	vld [tilespmem:s13+$0x9830]  }
0xd9: {  	v18 =	vld [tilespmem:s13+$0x4840]  }
0xda: {  	v50 =	vld [tilespmem:s13+$0x9840];
	v1 =	vadd.f32 v3, v1  }
0xdb: {  	v52 =	vld [tilespmem:s13+$0x4850];
	v3 =	vmul.f32 $9.999999770e-03, v6;
	v2 =	vadd.f32 v5, v2  }
0xdc: {  	v53 =	vld [tilespmem:s13+$0x9850];
	[tilespmem:s12+$0x9820] =	vst v8;
	v4 =	vmax.f32 v4, v7;
	v57 =	vmul.f32 $9.999999770e-03, v1;
	v9 =	vadd.f32 v10, v9  }
0xdd: {  	v54 =	vld [tilespmem:s13+$0x4860];
	[tilespmem:s12+$0x9830] =	vst v4;
	v3 =	vmax.f32 v6, v3;
	v11 =	vadd.f32 v12, v11;
	v59 =	vmul.f32 $9.999999770e-03, v2  }
0xde: {  	v55 =	vld [tilespmem:s13+$0x9860];
	[tilespmem:s12+$0x9840] =	vst v3;
	v13 =	vadd.f32 v14, v13;
	v1 =	vmax.f32 v1, v57;
	v49 =	vmul.f32 $9.999999770e-03, v9  }
0xdf: {  	v56 =	vadd.f32 v48, v15;
	[tilespmem:s12+$0x9850] =	vst v1;
	v19 =	vmul.f32 $9.999999770e-03, v11;
	v1 =	vmax.f32 v2, v59  }
0xe0: {  	v58 =	vadd.f32 v17, v16;
	v14 =	vmul.f32 $9.999999770e-03, v13;
	[tilespmem:s12+$0x9860] =	vst v1;
	v9 =	vmax.f32 v9, v49  }
0xe1: {  	v3 =	vadd.f32 v50, v18;
	v60 =	vmul.f32 $9.999999770e-03, v56;
	v51 =	vmax.f32 v11, v19;
	[tilespmem:s13+$0x9870] =	vst v9  }
0xe2: {  	v61 =	vadd.f32 v53, v52;
	v2 =	vmul.f32 $9.999999770e-03, v58;
	v13 =	vmax.f32 v13, v14;
	[tilespmem:s13+$0x9800] =	vst v51  }
0xe3: {  	v5 =	vadd.f32 v55, v54;
	v62 =	vmul.f32 $9.999999770e-03, v3;
	v1 =	vmax.f32 v56, v60;
	[tilespmem:s13+$0x9810] =	vst v13  }
0xe4: {  	[tilespmem:s13+$0x9820] =	vst v1;
	v1 =	vmax.f32 v58, v2;
	v2 =	vmul.f32 $9.999999770e-03, v61  }
0xe5: {  	[tilespmem:s13+$0x9830] =	vst v1;
	v1 =	vmax.f32 v3, v62;
	v3 =	vmul.f32 $9.999999770e-03, v5  }
0xe6: {  	s25 =	sadd.s32 $0x1, s25;
	[tilespmem:s13+$0x9840] =	vst v1;
	v1 =	vmax.f32 v61, v2  }
0xe7: {  	p0 =	sne.s32 s25, $0xC;
	[tilespmem:s13+$0x9850] =	vst v1;
	v1 =	vmax.f32 v5, v3  }
.Ltmp3:
0xe8: {  	s11 =	sadd.s32 $0x1000, s11;
	[tilespmem:s13+$0x9860] =	vst v1;
	(pc) =	sbr.rel @p0 .LBB2_5-.Ltmp3, $4  }
0xe9: {  	[spmem:s3] =	stream.indirect.scatter.add.f32 [tilespmem:s17], [sflag:$0x3], $0x80, s11, s31, $0xb8;
	v63 =	vld [tilespmem:$0x0]  }
0xea: {  	_ =	swait.ge [sflag:s29], $0x2800  }
0xeb: {  	[sflag:s29] =	ssyncset.done $0x0  }
0xec: {  	[sflag:s29] =	ssyncadd.s32 $0xFFFFD800  }
0xed: {  	_ =	swait.ge [sflag:s18], $0x2800  }
0xee: {  	[sflag:s18] =	ssyncset.done $0x0  }
0xef: {  	[sflag:s18] =	ssyncadd.s32 $0xFFFFD800  }
0xf0: {  	_ =	swait.ge [sflag:s18], $0x2800  }
0xf1: {  	[sflag:s18] =	ssyncset.done $0x0  }
0xf2: {  	s11 =	simm.s32 $0x0;
	[sflag:s18] =	ssyncadd.s32 $0xFFFFD800  }
0xf3: {  	v1 =	vld [tilespmem:s11+$0x2070]  }
0xf4: {  	v2 =	vld [tilespmem:s11+$0x7070]  }
0xf5: {  	v3 =	vld [tilespmem:s11+$0x2000]  }
0xf6: {  	v4 =	vld [tilespmem:s11+$0x7000]  }
0xf7: {  	v5 =	vld [tilespmem:s11+$0x2010]  }
0xf8: {  	v6 =	vld [tilespmem:s11+$0x7010]  }
0xf9: {  	v7 =	vld [tilespmem:s11+$0x2020];
	v1 =	vadd.f32 v2, v1  }
0xfa: {  	v2 =	vld [tilespmem:s11+$0x7020]  }
0xfb: {  	v8 =	vld [tilespmem:s11+$0x2030];
	v3 =	vadd.f32 v4, v3;
	v4 =	vmul.f32 $9.999999770e-03, v1  }
0xfc: {  	v9 =	vld [tilespmem:s11+$0x7030]  }
0xfd: {  	v10 =	vld [tilespmem:s11+$0x2040];
	v11 =	vmul.f32 $9.999999770e-03, v3;
	v1 =	vmax.f32 v1, v4;
	v4 =	vadd.f32 v6, v5  }
0xfe: {  	v12 =	vld [tilespmem:s11+$0x7040]  }
0xff: {  	v3 =	vmax.f32 v3, v11;
	[tilespmem:s11+$0x7070] =	vst v1;
	v1 =	vld [tilespmem:s11+$0x2050];
	v6 =	vadd.f32 v2, v7;
	v5 =	vmul.f32 $9.999999770e-03, v4  }
0x100: {  	[tilespmem:s11+$0x7000] =	vst v3;
	v3 =	vld [tilespmem:s11+$0x7050]  }
0x101: {  	v2 =	vld [tilespmem:s11+$0x2060];
	v7 =	vmul.f32 $9.999999770e-03, v6;
	v5 =	vmax.f32 v4, v5;
	v4 =	vadd.f32 v9, v8  }
0x102: {  	s12 =	simm.s32 $0x80;
	[tilespmem:s11+$0x7010] =	vst v5;
	v5 =	vld [tilespmem:s11+$0x7060]  }
0x103: {  	s13 =	simm.s32 $0x400;
	v9 =	vld [tilespmem:s12+$0x2070];
	v8 =	vmax.f32 v6, v7;
	v6 =	vadd.f32 v12, v10;
	v7 =	vmul.f32 $9.999999770e-03, v4  }
.LBB2_11:
0x104: {  	p0 =	sne.s32 s13, $0x9E00;
	v10 =	vld [tilespmem:s12+$0x7070];
	[tilespmem:s11+$0x7020] =	vst v8  }
0x105: {  	v8 =	vld [tilespmem:s12+$0x2000];
	v4 =	vmax.f32 v4, v7;
	v7 =	vmul.f32 $9.999999770e-03, v6;
	v1 =	vadd.f32 v3, v1  }
0x106: {  	v3 =	vld [tilespmem:s12+$0x7000];
	[tilespmem:s11+$0x7030] =	vst v4  }
0x107: {  	v4 =	vld [tilespmem:s12+$0x2010];
	v6 =	vmax.f32 v6, v7;
	v7 =	vmul.f32 $9.999999770e-03, v1;
	v2 =	vadd.f32 v5, v2  }
0x108: {  	v5 =	vld [tilespmem:s12+$0x7010];
	[tilespmem:s11+$0x7040] =	vst v6  }
0x109: {  	v6 =	vld [tilespmem:s12+$0x2020];
	v9 =	vadd.f32 v10, v9;
	v1 =	vmax.f32 v1, v7;
	v7 =	vmul.f32 $9.999999770e-03, v2  }
0x10a: {  	v10 =	vld [tilespmem:s12+$0x7020];
	[tilespmem:s11+$0x7050] =	vst v1  }
0x10b: {  	v1 =	vadd.f32 v3, v8;
	v8 =	vld [tilespmem:s12+$0x2030];
	v3 =	vmul.f32 $9.999999770e-03, v9;
	v2 =	vmax.f32 v2, v7  }
0x10c: {  	v7 =	vld [tilespmem:s12+$0x7030];
	[tilespmem:s11+$0x7060] =	vst v2;
	s11 =	smov.u32 s12  }
0x10d: {  	v2 =	vmul.f32 $9.999999770e-03, v1;
	v4 =	vadd.f32 v5, v4;
	v11 =	vld [tilespmem:s11+$0x2040];
	v3 =	vmax.f32 v9, v3  }
0x10e: {  	v12 =	vld [tilespmem:s11+$0x7040];
	[tilespmem:s11+$0x7070] =	vst v3  }
.Ltmp4:
0x10f: {  	v2 =	vmax.f32 v1, v2;
	v5 =	vmul.f32 $9.999999770e-03, v4;
	v6 =	vadd.f32 v10, v6;
	v1 =	vld [tilespmem:s11+$0x2050];
	(pc) =	sbr.rel @p0 .LBB2_11-.Ltmp4, $4  }
0x110: {  	[tilespmem:s11+$0x7000] =	vst v2;
	v3 =	vld [tilespmem:s11+$0x7050]  }
0x111: {  	v5 =	vmax.f32 v4, v5;
	v10 =	vmul.f32 $9.999999770e-03, v6;
	v4 =	vadd.f32 v7, v8;
	v2 =	vld [tilespmem:s11+$0x2060]  }
0x112: {  	s12 =	sshra.s32 s13, $0x2;
	[tilespmem:s11+$0x7010] =	vst v5;
	v5 =	vld [tilespmem:s11+$0x7060]  }
0x113: {  	s13 =	sadd.s32 $0x200, s13;
	v9 =	vld [tilespmem:s12+$0x2070];
	v8 =	vmax.f32 v6, v10;
	v7 =	vmul.f32 $9.999999770e-03, v4;
	v6 =	vadd.f32 v12, v11  }
0x114: {  	v10 =	vld [tilespmem:s12+$0x7070]  }
0x115: {  	v11 =	vld [tilespmem:s12+$0x2000]  }
0x116: {  	v12 =	vld [tilespmem:s12+$0x7000]  }
0x117: {  	v13 =	vld [tilespmem:s12+$0x2010]  }
0x118: {  	v14 =	vld [tilespmem:s12+$0x7010]  }
0x119: {  	v15 =	vld [tilespmem:s12+$0x2020]  }
0x11a: {  	v48 =	vld [tilespmem:s12+$0x7020]  }
0x11b: {  	v16 =	vld [tilespmem:s12+$0x2030]  }
0x11c: {  	v17 =	vld [tilespmem:s12+$0x7030]  }
0x11d: {  	v18 =	vld [tilespmem:s12+$0x2040]  }
0x11e: {  	v50 =	vld [tilespmem:s12+$0x7040];
	v1 =	vadd.f32 v3, v1  }
0x11f: {  	v52 =	vld [tilespmem:s12+$0x2050];
	v3 =	vmul.f32 $9.999999770e-03, v6;
	v2 =	vadd.f32 v5, v2  }
0x120: {  	v53 =	vld [tilespmem:s12+$0x7050];
	[tilespmem:s11+$0x7020] =	vst v8;
	v4 =	vmax.f32 v4, v7;
	v57 =	vmul.f32 $9.999999770e-03, v1;
	v9 =	vadd.f32 v10, v9  }
0x121: {  	v54 =	vld [tilespmem:s12+$0x2060];
	[tilespmem:s11+$0x7030] =	vst v4;
	v3 =	vmax.f32 v6, v3;
	v11 =	vadd.f32 v12, v11;
	v59 =	vmul.f32 $9.999999770e-03, v2  }
0x122: {  	v55 =	vld [tilespmem:s12+$0x7060];
	[tilespmem:s11+$0x7040] =	vst v3;
	v13 =	vadd.f32 v14, v13;
	v1 =	vmax.f32 v1, v57;
	v49 =	vmul.f32 $9.999999770e-03, v9  }
0x123: {  	v56 =	vadd.f32 v48, v15;
	[tilespmem:s11+$0x7050] =	vst v1;
	v19 =	vmul.f32 $9.999999770e-03, v11;
	v1 =	vmax.f32 v2, v59  }
0x124: {  	v58 =	vadd.f32 v17, v16;
	v14 =	vmul.f32 $9.999999770e-03, v13;
	[tilespmem:s11+$0x7060] =	vst v1;
	v9 =	vmax.f32 v9, v49  }
0x125: {  	v3 =	vadd.f32 v50, v18;
	v60 =	vmul.f32 $9.999999770e-03, v56;
	v51 =	vmax.f32 v11, v19;
	[tilespmem:s12+$0x7070] =	vst v9  }
0x126: {  	v61 =	vadd.f32 v53, v52;
	v2 =	vmul.f32 $9.999999770e-03, v58;
	v13 =	vmax.f32 v13, v14;
	[tilespmem:s12+$0x7000] =	vst v51  }
0x127: {  	v5 =	vadd.f32 v55, v54;
	v62 =	vmul.f32 $9.999999770e-03, v3;
	v1 =	vmax.f32 v56, v60;
	[tilespmem:s12+$0x7010] =	vst v13  }
0x128: {  	[tilespmem:s12+$0x7020] =	vst v1;
	v1 =	vmax.f32 v58, v2;
	v2 =	vmul.f32 $9.999999770e-03, v61  }
0x129: {  	[tilespmem:s12+$0x7030] =	vst v1;
	v1 =	vmax.f32 v3, v62;
	v3 =	vmul.f32 $9.999999770e-03, v5  }
0x12a: {  	s23 =	sadd.s32 $0x1, s23;
	[tilespmem:s12+$0x7040] =	vst v1;
	v1 =	vmax.f32 v61, v2  }
0x12b: {  	p0 =	sne.s32 s23, $0x5;
	[tilespmem:s12+$0x7050] =	vst v1;
	v1 =	vmax.f32 v5, v3  }
.Ltmp5:
0x12c: {  	[tilespmem:s12+$0x7060] =	vst v1;
	(pc) =	sbr.rel @p0 .LBB2_4-.Ltmp5, $4  }
0x12d: {  	[spmem:s3] =	stream.indirect.scatter.add.f32 [tilespmem:s0], [sflag:$0x3], $0x80, s20, s31, $0xb8;
	v63 =	vld [tilespmem:$0x0]  }
0x12e: {  	_ =	swait.ge [sflag:s29], $0x2800  }
0x12f: {  	[sflag:s29] =	ssyncset.done $0x0  }
0x130: {  	[sflag:s29] =	ssyncadd.s32 $0xFFFFD800  }
0x131: {  	[bflag:$0x0] =	sbarrier.arrive $0xFFFF  }
0x132: {  	[tilespmem:s28], [sflag:$0x3] =	stream.linear.gather [spmem:s10], $0x2800, $0x38;
	v63 =	vld [tilespmem:$0x0]  }
0x133: {  	_ =	swait.ge [sflag:s29], $0x2800  }
0x134: {  	[sflag:s29] =	ssyncset.done $0x0  }
0x135: {  	s15 =	rddreg [dreg:$0x8];
	[sflag:s29] =	ssyncadd.s32 $0xFFFFD800  }
0x136: {  	[hbm4b:s15+s4] =	stream.linear.scatter [tilespmem:s28], [sflag:$0x3], $0x2800, $0x38;
	v63 =	vld [tilespmem:$0x0]  }
0x137: {  	_ =	swait.ge [sflag:s29], $0x2800  }
0x138: {  	[sflag:s29] =	ssyncset.done $0x0  }
0x139: {  	[sflag:s29] =	ssyncadd.s32 $0xFFFFD800  }
0x13a: {  	[tilespmem:s28], [sflag:$0x3] =	stream.linear.gather [spmem:s16], $0x2800, $0x38;
	v63 =	vld [tilespmem:$0x0]  }
0x13b: {  	_ =	swait.ge [sflag:s29], $0x2800  }
0x13c: {  	[sflag:s29] =	ssyncset.done $0x0  }
0x13d: {  	s13 =	smov.u32 s16;
	s16 =	rddreg [dreg:$0x9];
	[sflag:s29] =	ssyncadd.s32 $0xFFFFD800  }
0x13e: {  	[hbm4b:s16+s4] =	stream.linear.scatter [tilespmem:s28], [sflag:$0x3], $0x2800, $0x38;
	v63 =	vld [tilespmem:$0x0]  }
0x13f: {  	_ =	swait.ge [sflag:s29], $0x2800  }
0x140: {  	[sflag:s29] =	ssyncset.done $0x0  }
0x141: {  	[sflag:s29] =	ssyncadd.s32 $0xFFFFD800  }
0x142: {  	[tilespmem:s28], [sflag:$0x3] =	stream.linear.gather [spmem:s26], $0x2800, $0x38;
	v63 =	vld [tilespmem:$0x0]  }
0x143: {  	_ =	swait.ge [sflag:s29], $0x2800  }
0x144: {  	[sflag:s29] =	ssyncset.done $0x0  }
0x145: {  	s23 =	rddreg [dreg:$0xa];
	[sflag:s29] =	ssyncadd.s32 $0xFFFFD800  }
0x146: {  	[hbm4b:s23+s4] =	stream.linear.scatter [tilespmem:s28], [sflag:$0x3], $0x2800, $0x38;
	v63 =	vld [tilespmem:$0x0]  }
0x147: {  	_ =	swait.ge [sflag:s29], $0x2800  }
0x148: {  	[sflag:s29] =	ssyncset.done $0x0  }
0x149: {  	s15 =	rddreg [dreg:$0x4];
	[sflag:s29] =	ssyncadd.s32 $0xFFFFD800  }
0x14a: {  	[tilespmem:s28], [sflag:$0x3] =	stream.linear.gather [spmem:s15], $0x2800, $0x38;
	v63 =	vld [tilespmem:$0x0]  }
0x14b: {  	_ =	swait.ge [sflag:s29], $0x2800  }
0x14c: {  	[sflag:s29] =	ssyncset.done $0x0  }
0x14d: {  	s24 =	rddreg [dreg:$0xb];
	[sflag:s29] =	ssyncadd.s32 $0xFFFFD800  }
0x14e: {  	[hbm4b:s24+s4] =	stream.linear.scatter [tilespmem:s28], [sflag:$0x3], $0x2800, $0x38;
	v63 =	vld [tilespmem:$0x0]  }
0x14f: {  	_ =	swait.ge [sflag:s29], $0x2800  }
0x150: {  	[sflag:s29] =	ssyncset.done $0x0  }
0x151: {  	s23 =	rddreg [dreg:$0x5];
	[sflag:s29] =	ssyncadd.s32 $0xFFFFD800  }
0x152: {  	[tilespmem:s28], [sflag:$0x3] =	stream.linear.gather [spmem:s23], $0x2800, $0x38;
	v63 =	vld [tilespmem:$0x0]  }
0x153: {  	_ =	swait.ge [sflag:s29], $0x2800  }
0x154: {  	[sflag:s29] =	ssyncset.done $0x0  }
0x155: {  	s25 =	rddreg [dreg:$0xc];
	[sflag:s29] =	ssyncadd.s32 $0xFFFFD800  }
0x156: {  	[hbm4b:s25+s4] =	stream.linear.scatter [tilespmem:s28], [sflag:$0x3], $0x2800, $0x38;
	v63 =	vld [tilespmem:$0x0]  }
0x157: {  	_ =	swait.ge [sflag:s29], $0x2800  }
0x158: {  	[sflag:s29] =	ssyncset.done $0x0  }
0x159: {  	s24 =	rddreg [dreg:$0x6];
	[sflag:s29] =	ssyncadd.s32 $0xFFFFD800  }
0x15a: {  	[tilespmem:s28], [sflag:$0x3] =	stream.linear.gather [spmem:s24], $0x2800, $0x38;
	v63 =	vld [tilespmem:$0x0]  }
0x15b: {  	_ =	swait.ge [sflag:s29], $0x2800  }
0x15c: {  	[sflag:s29] =	ssyncset.done $0x0  }
0x15d: {  	s14 =	smov.u32 s26;
	s26 =	rddreg [dreg:$0xd];
	[sflag:s29] =	ssyncadd.s32 $0xFFFFD800  }
0x15e: {  	[hbm4b:s26+s4] =	stream.linear.scatter [tilespmem:s28], [sflag:$0x3], $0x2800, $0x38;
	v63 =	vld [tilespmem:$0x0]  }
0x15f: {  	_ =	swait.ge [sflag:s29], $0x2800  }
0x160: {  	[sflag:s29] =	ssyncset.done $0x0  }
0x161: {  	s25 =	rddreg [dreg:$0x7];
	[sflag:s29] =	ssyncadd.s32 $0xFFFFD800  }
0x162: {  	[tilespmem:s28], [sflag:$0x3] =	stream.linear.gather [spmem:s25], $0x2800, $0x38;
	v63 =	vld [tilespmem:$0x0]  }
0x163: {  	_ =	swait.ge [sflag:s29], $0x2800  }
0x164: {  	[sflag:s29] =	ssyncset.done $0x0  }
0x165: {  	s11 =	rddreg [dreg:$0xf];
	[sflag:s29] =	ssyncadd.s32 $0xFFFFD800  }
0x166: {  	[hbm4b:s11+s4] =	stream.linear.scatter [tilespmem:s28], [sflag:$0x3], $0x2800, $0x38;
	v63 =	vld [tilespmem:$0x0]  }
0x167: {  	_ =	swait.ge [sflag:s29], $0x2800  }
0x168: {  	[sflag:s29] =	ssyncset.done $0x0  }
0x169: {  	s12 =	rddreg [dreg:$0x11];
	[sflag:s29] =	ssyncadd.s32 $0xFFFFD800  }
0x16a: {  	[tilespmem:s28], [sflag:$0x3] =	stream.linear.gather [spmem:s12], $0x2800, $0x38;
	v63 =	vld [tilespmem:$0x0]  }
0x16b: {  	_ =	swait.ge [sflag:s29], $0x2800  }
0x16c: {  	[sflag:s29] =	ssyncset.done $0x0  }
0x16d: {  	s16 =	rddreg [dreg:$0x10];
	[sflag:s29] =	ssyncadd.s32 $0xFFFFD800  }
0x16e: {  	[hbm4b:s16+s4] =	stream.linear.scatter [tilespmem:s28], [sflag:$0x3], $0x2800, $0x38;
	v63 =	vld [tilespmem:$0x0]  }
0x16f: {  	_ =	swait.ge [sflag:s29], $0x2800  }
0x170: {  	s21 =	sadd.s32 $0x1, s21;
	s26 =	rddreg [dreg:$0xe]  }
0x171: {  	p0 =	sne.s32 s21, s26  }
.Ltmp6:
0x172: {  	_ = 	snop;
	(pc) =	sbr.rel @p0 .LBB2_1-.Ltmp6, $3  }
0x173: {  	_ =	sdelay $0x1  }
0x174: {  	[sflag:s29] =	ssyncset.done $0x0  }
0x175: {  	s22 =	smov.u32 s10;
	[sflag:s29] =	ssyncadd.s32 $0xFFFFD800  }
0x176: {  	_ =	sfence.sel $0x180000  }
0x177: {  	[bflag:$0x0] =	sbarrier.arrive $0xFFFF  }
0x178: {  	_ =	strace $0x90000047  }
0x179: {  	s0 =	stileid.u32;
	[bflag:$0x2] =	sbarrier.arrive $0xFFFF  }
0x17a: {  	p0 =	sne.s32 s0, $0x0;
	s0 =	rddreg [dreg:$0x3]  }
0x17b: {  	s0 =	sadd.s32 @!p0 $0x100000, s0  }
0x17c: {  	[sflag:s0] =	ssyncadd.tile.s32 @!p0 $0x1;
	_ =	shalt  }
.Lfunc_end2:
_tile_overlayer_lowered:
.L_overlay_start_2:
0x17d: {  	(tag) =	ssettag $0x2  }
0x17e: {  	s0 =	rddreg [dreg:$0x0];
	s2 =	stileid.u32  }
0x17f: {  	s1 =	rddreg [dreg:$0x1];
	p0 =	sne.s32 s2, $0x0  }
0x180: {  	s3 =	rddreg [dreg:$0x2];
	[bflag:$0x3] =	sbarrier.arrive $0xFFFF;
	s2 =	simm.s32 @!p0 $0x1C03  }
0x181: {  	[timem:s3], [sflag:s2] =	dma.local @!p0 [hbm:s0], s1  }
0x182: {  	s0 =	simm.s32 @!p0 $0x3  }
0x183: {  	_ =	swait.ge @!p0 [sflag:s0], s1  }
0x184: {  	s1 =	ssub.s32 @!p0 $0x0, s1;
	[sflag:s0] =	ssyncset.done @!p0 $0x0  }
0x185: {  	[sflag:s0] =	ssyncadd.s32 @!p0 s1  }
0x186: {  	[bflag:$0x3] =	sbarrier.arrive $0xFFFF  }
0x187: {  	_ =	shalt  }

</sc_bundles>
